<compile_context>
chip_gen: v7x
topology: tpu7x:2x2x1
jax: 0.10.2.dev20260603
libtpu: 0.0.44.dev20260713+nightly
codegen_flags: <defaults>
</compile_context>

<pallas_src>
import functools

import jax
import jax.numpy as jnp
from jax import lax
from jax.experimental import pallas as pl
from jax.experimental.pallas import tpu as pltpu
from jax.experimental.pallas import tpu_sc as plsc

NC, NS = 2, 16
NW = NC * NS
NBUF = 5


def _gather_body(h_hbm, ei_hbm, out_hbm, h_sp, idx_v, *bufs_and_sems,
                 ntask, ec, e_per_w, rows_per_tile):
    bufs = bufs_and_sems[:NBUF]
    sgs = bufs_and_sems[NBUF:2 * NBUF]
    sws = bufs_and_sems[2 * NBUF:3 * NBUF]
    sstage = bufs_and_sems[3 * NBUF:]
    cid = lax.axis_index("c")
    sid = lax.axis_index("s")
    wid = cid * NS + sid
    e0 = wid * e_per_w
    d = h_sp.shape[1]
    n_edges = ei_hbm.shape[0] // 2
    n_rows = h_sp.shape[0]
    off = pl.multiple_of(jnp.minimum(sid * rows_per_tile, n_rows - rows_per_tile), 8)
    cp_h = pltpu.make_async_copy(h_hbm.at[pl.ds(off, rows_per_tile)],
                                 h_sp.at[pl.ds(off, rows_per_tile)], sstage[0])
    cp_s = pltpu.make_async_copy(ei_hbm.at[pl.ds(e0, e_per_w)],
                                 idx_v.at[pl.ds(0, e_per_w)], sstage[1])
    cp_d = pltpu.make_async_copy(ei_hbm.at[pl.ds(n_edges + e0, e_per_w)],
                                 idx_v.at[pl.ds(e_per_w, e_per_w)], sstage[2])
    cp_h.start()
    cp_s.start()
    cp_d.start()
    cp_s.wait()
    cp_d.wait()

    def _idx(k):
        return pl.multiple_of((k % 2) * e_per_w + (k // 2) * ec, 8)

    def gather(k, i):
        return pltpu.make_async_copy(h_sp.at[idx_v.at[pl.ds(_idx(k), ec)]],
                                     bufs[i], sgs[i])

    def gather_hbm(k, i):
        return pltpu.make_async_copy(h_hbm.at[idx_v.at[pl.ds(_idx(k), ec)]],
                                     bufs[i], sgs[i])

    def writeback(k, i):
        rows = pl.ds(e0 + (k // 2) * ec, ec)
        col = pl.multiple_of((k % 2) * d, d)
        return pltpu.make_async_copy(bufs[i], out_hbm.at[rows, pl.ds(col, d)],
                                     sws[i])

    def slot(k, i):
        gather(k, i).wait()
        writeback(k, i).start()

        @pl.when(k > 0)
        def _():
            writeback(k - 1, (i - 1) % NBUF).wait()

        @pl.when(k + NBUF - 2 < ntask)
        def _():
            gather(k + NBUF - 2, (i + NBUF - 2) % NBUF).start()

    def group(t, carry):
        k0 = NBUF * t
        for i in range(NBUF):
            slot(k0 + i, i)
        return carry

    for i in range(3):
        gather_hbm(i, i).start()
    gather_hbm(0, 0).wait()
    writeback(0, 0).start()
    gather_hbm(3, 3).start()
    gather_hbm(1, 1).wait()
    writeback(1, 1).start()
    writeback(0, 0).wait()
    gather_hbm(4, 4).start()
    gather_hbm(2, 2).wait()
    writeback(2, 2).start()
    writeback(1, 1).wait()
    cp_h.wait()
    plsc.subcore_barrier()
    gather(5, 0).start()
    gather_hbm(3, 3).wait()
    writeback(3, 3).start()
    writeback(2, 2).wait()
    gather(6, 1).start()
    gather_hbm(4, 4).wait()
    writeback(4, 4).start()
    writeback(3, 3).wait()
    gather(7, 2).start()

    def group_tail(t, carry):
        k0 = NBUF + NBUF * t
        for i in range(NBUF):
            slot(k0 + i, i)
        return carry

    lax.fori_loop(0, ntask // NBUF - 1, group_tail, 0)
    writeback(ntask - 1, (ntask - 1) % NBUF).wait()


def kernel(h, edge_index):
    n, d = h.shape
    e = edge_index.shape[1]
    e_per_w = e // NW
    ec = 40
    ntask = 2 * (e_per_w // ec)
    assert ntask % NBUF == 0

    ei = edge_index.astype(jnp.int32).reshape(-1)
    rpt = ((n + NS - 1) // NS + 7) // 8 * 8
    body = functools.partial(_gather_body, ntask=ntask, ec=ec,
                             e_per_w=e_per_w, rows_per_tile=rpt)
    return pl.kernel(
        body,
        out_type=jax.ShapeDtypeStruct((e, 2 * d), jnp.float32),
        mesh=plsc.VectorSubcoreMesh(core_axis_name="c", subcore_axis_name="s"),
        scratch_types=(
            [pltpu.VMEM_SHARED((n, d), jnp.float32),
             pltpu.VMEM((2 * e_per_w,), jnp.int32)]
            + [pltpu.VMEM((ec, d), jnp.float32)] * NBUF
            + [pltpu.SemaphoreType.DMA] * (2 * NBUF + 3)
        ),
    )(h, ei)

# --- scband reference (transcript-rebuilt; emitter-appended) ---
"""Pipeline reference for scband-gcnconnation-54116587929730 (READ-ONLY COPY).

The authoritative reference and input builder live on the scoring server;
editing this copy changes nothing except your own understanding.
"""

import jax, jax.numpy as jnp
import numpy as np


def setup_inputs(seed: int = 0) -> dict:
    key = jax.random.key(seed)
    k1, k2 = jax.random.split(key)
    h = jax.random.normal(k1, (10000, 128), dtype=jnp.float32)
    edge_index = jax.random.randint(k2, (2, 320000), 0, 10000, dtype=jnp.int64)
    return {"h": h, "edge_index": edge_index}


def reference(h, edge_index):
    # Faithful translation of GCNConnation.forward:
    # gather source and destination node embeddings per edge, concat along feature dim.
    src = edge_index[0]
    dst = edge_index[1]
    src_embed = jnp.take(h, src, axis=0)
    dst_embed = jnp.take(h, dst, axis=0)
    memory = jnp.concatenate((src_embed, dst_embed), axis=1)
    return memory

if __name__ == "__main__":
    import jax
    _d = setup_inputs()
    print(jax.jit(kernel)(*tuple(_d.values())))

</pallas_src>

<mosaic_0001>
#map = affine_map<(d0, d1) -> (0, 0)>
#map1 = affine_map<(d0, d1) -> (0)>
module attributes {stable_mosaic.version = 14 : i64} {
  func.func @_gather_body(%arg0: i32, %arg1: i32, %arg2: memref<10000x128xf32, #tpu.memory_space<hbm>>, %arg3: memref<640000xi32, #tpu.memory_space<hbm>>, %arg4: memref<320000x256xf32, #tpu.memory_space<hbm>>, %arg5: memref<10000x128xf32, #tpu.memory_space<vmem_shared>>, %arg6: memref<20000xi32, #tpu.memory_space<vmem>>, %arg7: memref<40x128xf32, #tpu.memory_space<vmem>>, %arg8: memref<40x128xf32, #tpu.memory_space<vmem>>, %arg9: memref<40x128xf32, #tpu.memory_space<vmem>>, %arg10: memref<40x128xf32, #tpu.memory_space<vmem>>, %arg11: memref<40x128xf32, #tpu.memory_space<vmem>>, %arg12: memref<!tpu.dma_semaphore, #tpu.memory_space<semaphore_mem>>, %arg13: memref<!tpu.dma_semaphore, #tpu.memory_space<semaphore_mem>>, %arg14: memref<!tpu.dma_semaphore, #tpu.memory_space<semaphore_mem>>, %arg15: memref<!tpu.dma_semaphore, #tpu.memory_space<semaphore_mem>>, %arg16: memref<!tpu.dma_semaphore, #tpu.memory_space<semaphore_mem>>, %arg17: memref<!tpu.dma_semaphore, #tpu.memory_space<semaphore_mem>>, %arg18: memref<!tpu.dma_semaphore, #tpu.memory_space<semaphore_mem>>, %arg19: memref<!tpu.dma_semaphore, #tpu.memory_space<semaphore_mem>>, %arg20: memref<!tpu.dma_semaphore, #tpu.memory_space<semaphore_mem>>, %arg21: memref<!tpu.dma_semaphore, #tpu.memory_space<semaphore_mem>>, %arg22: memref<!tpu.dma_semaphore, #tpu.memory_space<semaphore_mem>>, %arg23: memref<!tpu.dma_semaphore, #tpu.memory_space<semaphore_mem>>, %arg24: memref<!tpu.dma_semaphore, #tpu.memory_space<semaphore_mem>>) attributes {dimension_semantics = [#tpu.dimension_semantics<core_parallel>, #tpu.dimension_semantics<subcore_parallel>], iteration_bounds = array<i64: 2, 16>, scalar_prefetch = 0 : i64, scratch_operands = 20 : i64, tpu.core_type = #tpu.core_type<sc_vector_subcore>, window_params = [{transform_indices = #map}, {transform_indices = #map1}, {transform_indices = #map}]} {
    %mul3A = arith.constant 16 : i32
    %mul3A_0 = arith.muli %arg0, %mul3A : i32
    %add3A = arith.addi %mul3A_0, %arg1 : i32
    %mul3A_1 = arith.constant 10000 : i32
    %mul3A_2 = arith.muli %add3A, %mul3A_1 : i32
    %mul3A_3 = arith.constant 632 : i32
    %mul3A_4 = arith.muli %arg1, %mul3A_3 : i32
    %min3A = arith.constant 9368 : i32
    %min3A_5 = arith.minsi %mul3A_4, %min3A : i32
    %multiple_of3A = tpu.assume_multiple %min3A_5, 8 : i32
    %add3A_6 = arith.constant 320000 : i32
    %add3A_7 = arith.addi %add3A_6, %mul3A_2 : i32
    %dma_start3A = arith.constant 0 : i32
    %dma_start3A_8 = tpu.memref_slice %arg5[%multiple_of3A, %dma_start3A] : memref<10000x128xf32, #tpu.memory_space<vmem_shared>> -> memref<632x128xf32, #tpu.memory_space<vmem_shared>>
    %dma_start3A_9 = arith.constant 0 : i32
    %dma_start3A_10 = tpu.memref_slice %arg2[%multiple_of3A, %dma_start3A_9] : memref<10000x128xf32, #tpu.memory_space<hbm>> -> memref<632x128xf32, #tpu.memory_space<hbm>>
    tpu.enqueue_dma source(%dma_start3A_10 : memref<632x128xf32, #tpu.memory_space<hbm>>) target(%dma_start3A_8 : memref<632x128xf32, #tpu.memory_space<vmem_shared>>) target_semaphore(%arg22 : memref<!tpu.dma_semaphore, #tpu.memory_space<semaphore_mem>>)
    %dma_start3A_11 = arith.constant 0 : i32
    %dma_start3A_12 = tpu.memref_slice %arg6[%dma_start3A_11] : memref<20000xi32, #tpu.memory_space<vmem>> -> memref<10000xi32, #tpu.memory_space<vmem>>
    %dma_start3A_13 = tpu.memref_slice %arg3[%mul3A_2] : memref<640000xi32, #tpu.memory_space<hbm>> -> memref<10000xi32, #tpu.memory_space<hbm>>
    %dma_start3A_14 = arith.constant 0 : i32
    %dma_start3A_15 = tpu.memref_slice %arg6[%dma_start3A_14] : memref<20000xi32, #tpu.memory_space<vmem>> -> memref<10000xi32, #tpu.memory_space<vmem>>
    %dma_start3A_16 = tpu.memref_slice %arg3[%mul3A_2] : memref<640000xi32, #tpu.memory_space<hbm>> -> memref<10000xi32, #tpu.memory_space<hbm>>
    tpu.enqueue_dma source(%dma_start3A_16 : memref<10000xi32, #tpu.memory_space<hbm>>) target(%dma_start3A_15 : memref<10000xi32, #tpu.memory_space<vmem>>) target_semaphore(%arg23 : memref<!tpu.dma_semaphore, #tpu.memory_space<semaphore_mem>>)
    %dma_start3A_17 = arith.constant 10000 : i32
    %dma_start3A_18 = tpu.memref_slice %arg6[%dma_start3A_17] : memref<20000xi32, #tpu.memory_space<vmem>> -> memref<10000xi32, #tpu.memory_space<vmem>>
    %dma_start3A_19 = tpu.memref_slice %arg3[%add3A_7] : memref<640000xi32, #tpu.memory_space<hbm>> -> memref<10000xi32, #tpu.memory_space<hbm>>
    %dma_start3A_20 = arith.constant 10000 : i32
    %dma_start3A_21 = tpu.memref_slice %arg6[%dma_start3A_20] : memref<20000xi32, #tpu.memory_space<vmem>> -> memref<10000xi32, #tpu.memory_space<vmem>>
    %dma_start3A_22 = tpu.memref_slice %arg3[%add3A_7] : memref<640000xi32, #tpu.memory_space<hbm>> -> memref<10000xi32, #tpu.memory_space<hbm>>
    tpu.enqueue_dma source(%dma_start3A_22 : memref<10000xi32, #tpu.memory_space<hbm>>) target(%dma_start3A_21 : memref<10000xi32, #tpu.memory_space<vmem>>) target_semaphore(%arg24 : memref<!tpu.dma_semaphore, #tpu.memory_space<semaphore_mem>>)
    %dma_wait3A = arith.constant 0 : i32
    %dma_wait3A_23 = tpu.memref_slice %arg6[%dma_wait3A] : memref<20000xi32, #tpu.memory_space<vmem>> -> memref<10000xi32, #tpu.memory_space<vmem>>
    %dma_wait3A_24 = tpu.memref_slice %arg3[%mul3A_2] : memref<640000xi32, #tpu.memory_space<hbm>> -> memref<10000xi32, #tpu.memory_space<hbm>>
    %dma_wait3A_25 = arith.constant 0 : i32
    %dma_wait3A_26 = tpu.memref_slice %arg6[%dma_wait3A_25] : memref<20000xi32, #tpu.memory_space<vmem>> -> memref<10000xi32, #tpu.memory_space<vmem>>
    %dma_wait3A_27 = tpu.memref_slice %arg3[%mul3A_2] : memref<640000xi32, #tpu.memory_space<hbm>> -> memref<10000xi32, #tpu.memory_space<hbm>>
    tpu.wait_dma2 semaphore(%arg23 : memref<!tpu.dma_semaphore, #tpu.memory_space<semaphore_mem>>) src(%dma_wait3A_27 : memref<10000xi32, #tpu.memory_space<hbm>>) dst(%dma_wait3A_26 : memref<10000xi32, #tpu.memory_space<vmem>>)
    %dma_wait3A_28 = arith.constant 10000 : i32
    %dma_wait3A_29 = tpu.memref_slice %arg6[%dma_wait3A_28] : memref<20000xi32, #tpu.memory_space<vmem>> -> memref<10000xi32, #tpu.memory_space<vmem>>
    %dma_wait3A_30 = tpu.memref_slice %arg3[%add3A_7] : memref<640000xi32, #tpu.memory_space<hbm>> -> memref<10000xi32, #tpu.memory_space<hbm>>
    %dma_wait3A_31 = arith.constant 10000 : i32
    %dma_wait3A_32 = tpu.memref_slice %arg6[%dma_wait3A_31] : memref<20000xi32, #tpu.memory_space<vmem>> -> memref<10000xi32, #tpu.memory_space<vmem>>
    %dma_wait3A_33 = tpu.memref_slice %arg3[%add3A_7] : memref<640000xi32, #tpu.memory_space<hbm>> -> memref<10000xi32, #tpu.memory_space<hbm>>
    tpu.wait_dma2 semaphore(%arg24 : memref<!tpu.dma_semaphore, #tpu.memory_space<semaphore_mem>>) src(%dma_wait3A_33 : memref<10000xi32, #tpu.memory_space<hbm>>) dst(%dma_wait3A_32 : memref<10000xi32, #tpu.memory_space<vmem>>)
    %multiple_of3A_34 = arith.constant 0 : i32
    %multiple_of3A_35 = tpu.assume_multiple %multiple_of3A_34, 8 : i32
    %dma_start3A_36 = tpu.memref_slice %arg6[%multiple_of3A_35] : memref<20000xi32, #tpu.memory_space<vmem>> -> memref<40xi32, #tpu.memory_space<vmem>>
    %dma_start3A_37 = arith.constant 0 : i32
    %dma_start3A_38 = arith.constant 0 : i32
    %dma_start3A_39 = tpu.memref_slice %arg2[%dma_start3A_37, %dma_start3A_38] : memref<10000x128xf32, #tpu.memory_space<hbm>> -> memref<10000x128xf32, #tpu.memory_space<hbm>>
    tpu.enqueue_indirect_dma source(%dma_start3A_39 : memref<10000x128xf32, #tpu.memory_space<hbm>>) target(%arg7 : memref<40x128xf32, #tpu.memory_space<vmem>>) offsets(%dma_start3A_36 : memref<40xi32, #tpu.memory_space<vmem>>) semaphore(%arg12 : memref<!tpu.dma_semaphore, #tpu.memory_space<semaphore_mem>>)
    %multiple_of3A_40 = arith.constant 10000 : i32
    %multiple_of3A_41 = tpu.assume_multiple %multiple_of3A_40, 8 : i32
    %dma_start3A_42 = tpu.memref_slice %arg6[%multiple_of3A_41] : memref<20000xi32, #tpu.memory_space<vmem>> -> memref<40xi32, #tpu.memory_space<vmem>>
    %dma_start3A_43 = arith.constant 0 : i32
    %dma_start3A_44 = arith.constant 0 : i32
    %dma_start3A_45 = tpu.memref_slice %arg2[%dma_start3A_43, %dma_start3A_44] : memref<10000x128xf32, #tpu.memory_space<hbm>> -> memref<10000x128xf32, #tpu.memory_space<hbm>>
    tpu.enqueue_indirect_dma source(%dma_start3A_45 : memref<10000x128xf32, #tpu.memory_space<hbm>>) target(%arg8 : memref<40x128xf32, #tpu.memory_space<vmem>>) offsets(%dma_start3A_42 : memref<40xi32, #tpu.memory_space<vmem>>) semaphore(%arg13 : memref<!tpu.dma_semaphore, #tpu.memory_space<semaphore_mem>>)
    %multiple_of3A_46 = arith.constant 40 : i32
    %multiple_of3A_47 = tpu.assume_multiple %multiple_of3A_46, 8 : i32
    %dma_start3A_48 = tpu.memref_slice %arg6[%multiple_of3A_47] : memref<20000xi32, #tpu.memory_space<vmem>> -> memref<40xi32, #tpu.memory_space<vmem>>
    %dma_start3A_49 = arith.constant 0 : i32
    %dma_start3A_50 = arith.constant 0 : i32
    %dma_start3A_51 = tpu.memref_slice %arg2[%dma_start3A_49, %dma_start3A_50] : memref<10000x128xf32, #tpu.memory_space<hbm>> -> memref<10000x128xf32, #tpu.memory_space<hbm>>
    tpu.enqueue_indirect_dma source(%dma_start3A_51 : memref<10000x128xf32, #tpu.memory_space<hbm>>) target(%arg9 : memref<40x128xf32, #tpu.memory_space<vmem>>) offsets(%dma_start3A_48 : memref<40xi32, #tpu.memory_space<vmem>>) semaphore(%arg14 : memref<!tpu.dma_semaphore, #tpu.memory_space<semaphore_mem>>)
    %multiple_of3A_52 = arith.constant 0 : i32
    %multiple_of3A_53 = tpu.assume_multiple %multiple_of3A_52, 8 : i32
    %dma_wait3A_54 = tpu.memref_slice %arg6[%multiple_of3A_53] : memref<20000xi32, #tpu.memory_space<vmem>> -> memref<40xi32, #tpu.memory_space<vmem>>
    %dma_wait3A_55 = arith.constant 0 : i32
    %dma_wait3A_56 = arith.constant 0 : i32
    %dma_wait3A_57 = tpu.memref_slice %arg2[%dma_wait3A_55, %dma_wait3A_56] : memref<10000x128xf32, #tpu.memory_space<hbm>> -> memref<10000x128xf32, #tpu.memory_space<hbm>>
    tpu.wait_indirect_dma semaphore(%arg12 : memref<!tpu.dma_semaphore, #tpu.memory_space<semaphore_mem>>) src(%dma_wait3A_57 : memref<10000x128xf32, #tpu.memory_space<hbm>>) dst(%arg7 : memref<40x128xf32, #tpu.memory_space<vmem>>)
    %add3A_58 = arith.constant 0 : i32
    %add3A_59 = arith.addi %mul3A_2, %add3A_58 : i32
    %multiple_of3A_60 = arith.constant 0 : i32
    %multiple_of3A_61 = tpu.assume_multiple %multiple_of3A_60, 128 : i32
    %dma_start3A_62 = tpu.memref_slice %arg4[%add3A_59, %multiple_of3A_61] : memref<320000x256xf32, #tpu.memory_space<hbm>> -> memref<40x128xf32, #tpu.memory_space<hbm>>
    %dma_start3A_63 = tpu.memref_slice %arg4[%add3A_59, %multiple_of3A_61] : memref<320000x256xf32, #tpu.memory_space<hbm>> -> memref<40x128xf32, #tpu.memory_space<hbm>>
    tpu.enqueue_dma source(%arg7 : memref<40x128xf32, #tpu.memory_space<vmem>>) target(%dma_start3A_63 : memref<40x128xf32, #tpu.memory_space<hbm>>) target_semaphore(%arg17 : memref<!tpu.dma_semaphore, #tpu.memory_space<semaphore_mem>>)
    %multiple_of3A_64 = arith.constant 10040 : i32
    %multiple_of3A_65 = tpu.assume_multiple %multiple_of3A_64, 8 : i32
    %dma_start3A_66 = tpu.memref_slice %arg6[%multiple_of3A_65] : memref<20000xi32, #tpu.memory_space<vmem>> -> memref<40xi32, #tpu.memory_space<vmem>>
    %dma_start3A_67 = arith.constant 0 : i32
    %dma_start3A_68 = arith.constant 0 : i32
    %dma_start3A_69 = tpu.memref_slice %arg2[%dma_start3A_67, %dma_start3A_68] : memref<10000x128xf32, #tpu.memory_space<hbm>> -> memref<10000x128xf32, #tpu.memory_space<hbm>>
    tpu.enqueue_indirect_dma source(%dma_start3A_69 : memref<10000x128xf32, #tpu.memory_space<hbm>>) target(%arg10 : memref<40x128xf32, #tpu.memory_space<vmem>>) offsets(%dma_start3A_66 : memref<40xi32, #tpu.memory_space<vmem>>) semaphore(%arg15 : memref<!tpu.dma_semaphore, #tpu.memory_space<semaphore_mem>>)
    %multiple_of3A_70 = arith.constant 10000 : i32
    %multiple_of3A_71 = tpu.assume_multiple %multiple_of3A_70, 8 : i32
    %dma_wait3A_72 = tpu.memref_slice %arg6[%multiple_of3A_71] : memref<20000xi32, #tpu.memory_space<vmem>> -> memref<40xi32, #tpu.memory_space<vmem>>
    %dma_wait3A_73 = arith.constant 0 : i32
    %dma_wait3A_74 = arith.constant 0 : i32
    %dma_wait3A_75 = tpu.memref_slice %arg2[%dma_wait3A_73, %dma_wait3A_74] : memref<10000x128xf32, #tpu.memory_space<hbm>> -> memref<10000x128xf32, #tpu.memory_space<hbm>>
    tpu.wait_indirect_dma semaphore(%arg13 : memref<!tpu.dma_semaphore, #tpu.memory_space<semaphore_mem>>) src(%dma_wait3A_75 : memref<10000x128xf32, #tpu.memory_space<hbm>>) dst(%arg8 : memref<40x128xf32, #tpu.memory_space<vmem>>)
    %add3A_76 = arith.constant 0 : i32
    %add3A_77 = arith.addi %mul3A_2, %add3A_76 : i32
    %multiple_of3A_78 = arith.constant 128 : i32
    %multiple_of3A_79 = tpu.assume_multiple %multiple_of3A_78, 128 : i32
    %dma_start3A_80 = tpu.memref_slice %arg4[%add3A_77, %multiple_of3A_79] : memref<320000x256xf32, #tpu.memory_space<hbm>> -> memref<40x128xf32, #tpu.memory_space<hbm>>
    %dma_start3A_81 = tpu.memref_slice %arg4[%add3A_77, %multiple_of3A_79] : memref<320000x256xf32, #tpu.memory_space<hbm>> -> memref<40x128xf32, #tpu.memory_space<hbm>>
    tpu.enqueue_dma source(%arg8 : memref<40x128xf32, #tpu.memory_space<vmem>>) target(%dma_start3A_81 : memref<40x128xf32, #tpu.memory_space<hbm>>) target_semaphore(%arg18 : memref<!tpu.dma_semaphore, #tpu.memory_space<semaphore_mem>>)
    %add3A_82 = arith.constant 0 : i32
    %add3A_83 = arith.addi %mul3A_2, %add3A_82 : i32
    %multiple_of3A_84 = arith.constant 0 : i32
    %multiple_of3A_85 = tpu.assume_multiple %multiple_of3A_84, 128 : i32
    %dma_wait3A_86 = tpu.memref_slice %arg4[%add3A_83, %multiple_of3A_85] : memref<320000x256xf32, #tpu.memory_space<hbm>> -> memref<40x128xf32, #tpu.memory_space<hbm>>
    %dma_wait3A_87 = tpu.memref_slice %arg4[%add3A_83, %multiple_of3A_85] : memref<320000x256xf32, #tpu.memory_space<hbm>> -> memref<40x128xf32, #tpu.memory_space<hbm>>
    tpu.wait_dma2 semaphore(%arg17 : memref<!tpu.dma_semaphore, #tpu.memory_space<semaphore_mem>>) src(%arg7 : memref<40x128xf32, #tpu.memory_space<vmem>>) dst(%dma_wait3A_87 : memref<40x128xf32, #tpu.memory_space<hbm>>)
    %multiple_of3A_88 = arith.constant 80 : i32
    %multiple_of3A_89 = tpu.assume_multiple %multiple_of3A_88, 8 : i32
    %dma_start3A_90 = tpu.memref_slice %arg6[%multiple_of3A_89] : memref<20000xi32, #tpu.memory_space<vmem>> -> memref<40xi32, #tpu.memory_space<vmem>>
    %dma_start3A_91 = arith.constant 0 : i32
    %dma_start3A_92 = arith.constant 0 : i32
    %dma_start3A_93 = tpu.memref_slice %arg2[%dma_start3A_91, %dma_start3A_92] : memref<10000x128xf32, #tpu.memory_space<hbm>> -> memref<10000x128xf32, #tpu.memory_space<hbm>>
    tpu.enqueue_indirect_dma source(%dma_start3A_93 : memref<10000x128xf32, #tpu.memory_space<hbm>>) target(%arg11 : memref<40x128xf32, #tpu.memory_space<vmem>>) offsets(%dma_start3A_90 : memref<40xi32, #tpu.memory_space<vmem>>) semaphore(%arg16 : memref<!tpu.dma_semaphore, #tpu.memory_space<semaphore_mem>>)
    %multiple_of3A_94 = arith.constant 40 : i32
    %multiple_of3A_95 = tpu.assume_multiple %multiple_of3A_94, 8 : i32
    %dma_wait3A_96 = tpu.memref_slice %arg6[%multiple_of3A_95] : memref<20000xi32, #tpu.memory_space<vmem>> -> memref<40xi32, #tpu.memory_space<vmem>>
    %dma_wait3A_97 = arith.constant 0 : i32
    %dma_wait3A_98 = arith.constant 0 : i32
    %dma_wait3A_99 = tpu.memref_slice %arg2[%dma_wait3A_97, %dma_wait3A_98] : memref<10000x128xf32, #tpu.memory_space<hbm>> -> memref<10000x128xf32, #tpu.memory_space<hbm>>
    tpu.wait_indirect_dma semaphore(%arg14 : memref<!tpu.dma_semaphore, #tpu.memory_space<semaphore_mem>>) src(%dma_wait3A_99 : memref<10000x128xf32, #tpu.memory_space<hbm>>) dst(%arg9 : memref<40x128xf32, #tpu.memory_space<vmem>>)
    %add3A_100 = arith.constant 40 : i32
    %add3A_101 = arith.addi %mul3A_2, %add3A_100 : i32
    %multiple_of3A_102 = arith.constant 0 : i32
    %multiple_of3A_103 = tpu.assume_multiple %multiple_of3A_102, 128 : i32
    %dma_start3A_104 = tpu.memref_slice %arg4[%add3A_101, %multiple_of3A_103] : memref<320000x256xf32, #tpu.memory_space<hbm>> -> memref<40x128xf32, #tpu.memory_space<hbm>>
    %dma_start3A_105 = tpu.memref_slice %arg4[%add3A_101, %multiple_of3A_103] : memref<320000x256xf32, #tpu.memory_space<hbm>> -> memref<40x128xf32, #tpu.memory_space<hbm>>
    tpu.enqueue_dma source(%arg9 : memref<40x128xf32, #tpu.memory_space<vmem>>) target(%dma_start3A_105 : memref<40x128xf32, #tpu.memory_space<hbm>>) target_semaphore(%arg19 : memref<!tpu.dma_semaphore, #tpu.memory_space<semaphore_mem>>)
    %add3A_106 = arith.constant 0 : i32
    %add3A_107 = arith.addi %mul3A_2, %add3A_106 : i32
    %multiple_of3A_108 = arith.constant 128 : i32
    %multiple_of3A_109 = tpu.assume_multiple %multiple_of3A_108, 128 : i32
    %dma_wait3A_110 = tpu.memref_slice %arg4[%add3A_107, %multiple_of3A_109] : memref<320000x256xf32, #tpu.memory_space<hbm>> -> memref<40x128xf32, #tpu.memory_space<hbm>>
    %dma_wait3A_111 = tpu.memref_slice %arg4[%add3A_107, %multiple_of3A_109] : memref<320000x256xf32, #tpu.memory_space<hbm>> -> memref<40x128xf32, #tpu.memory_space<hbm>>
    tpu.wait_dma2 semaphore(%arg18 : memref<!tpu.dma_semaphore, #tpu.memory_space<semaphore_mem>>) src(%arg8 : memref<40x128xf32, #tpu.memory_space<vmem>>) dst(%dma_wait3A_111 : memref<40x128xf32, #tpu.memory_space<hbm>>)
    %dma_wait3A_112 = arith.constant 0 : i32
    %dma_wait3A_113 = tpu.memref_slice %arg5[%multiple_of3A, %dma_wait3A_112] : memref<10000x128xf32, #tpu.memory_space<vmem_shared>> -> memref<632x128xf32, #tpu.memory_space<vmem_shared>>
    %dma_wait3A_114 = arith.constant 0 : i32
    %dma_wait3A_115 = tpu.memref_slice %arg2[%multiple_of3A, %dma_wait3A_114] : memref<10000x128xf32, #tpu.memory_space<hbm>> -> memref<632x128xf32, #tpu.memory_space<hbm>>
    tpu.wait_dma2 semaphore(%arg22 : memref<!tpu.dma_semaphore, #tpu.memory_space<semaphore_mem>>) src(%dma_wait3A_115 : memref<632x128xf32, #tpu.memory_space<hbm>>) dst(%dma_wait3A_113 : memref<632x128xf32, #tpu.memory_space<vmem_shared>>)
    %barrier3A = arith.constant 0 : index
    tpu.barrier barrier_id(%barrier3A)
    %multiple_of3A_116 = arith.constant 10080 : i32
    %multiple_of3A_117 = tpu.assume_multiple %multiple_of3A_116, 8 : i32
    %dma_start3A_118 = tpu.memref_slice %arg6[%multiple_of3A_117] : memref<20000xi32, #tpu.memory_space<vmem>> -> memref<40xi32, #tpu.memory_space<vmem>>
    %dma_start3A_119 = arith.constant 0 : i32
    %dma_start3A_120 = arith.constant 0 : i32
    %dma_start3A_121 = tpu.memref_slice %arg5[%dma_start3A_119, %dma_start3A_120] : memref<10000x128xf32, #tpu.memory_space<vmem_shared>> -> memref<10000x128xf32, #tpu.memory_space<vmem_shared>>
    tpu.enqueue_indirect_dma source(%dma_start3A_121 : memref<10000x128xf32, #tpu.memory_space<vmem_shared>>) target(%arg7 : memref<40x128xf32, #tpu.memory_space<vmem>>) offsets(%dma_start3A_118 : memref<40xi32, #tpu.memory_space<vmem>>) semaphore(%arg12 : memref<!tpu.dma_semaphore, #tpu.memory_space<semaphore_mem>>)
    %multiple_of3A_122 = arith.constant 10040 : i32
    %multiple_of3A_123 = tpu.assume_multiple %multiple_of3A_122, 8 : i32
    %dma_wait3A_124 = tpu.memref_slice %arg6[%multiple_of3A_123] : memref<20000xi32, #tpu.memory_space<vmem>> -> memref<40xi32, #tpu.memory_space<vmem>>
    %dma_wait3A_125 = arith.constant 0 : i32
    %dma_wait3A_126 = arith.constant 0 : i32
    %dma_wait3A_127 = tpu.memref_slice %arg2[%dma_wait3A_125, %dma_wait3A_126] : memref<10000x128xf32, #tpu.memory_space<hbm>> -> memref<10000x128xf32, #tpu.memory_space<hbm>>
    tpu.wait_indirect_dma semaphore(%arg15 : memref<!tpu.dma_semaphore, #tpu.memory_space<semaphore_mem>>) src(%dma_wait3A_127 : memref<10000x128xf32, #tpu.memory_space<hbm>>) dst(%arg10 : memref<40x128xf32, #tpu.memory_space<vmem>>)
    %add3A_128 = arith.constant 40 : i32
    %add3A_129 = arith.addi %mul3A_2, %add3A_128 : i32
    %multiple_of3A_130 = arith.constant 128 : i32
    %multiple_of3A_131 = tpu.assume_multiple %multiple_of3A_130, 128 : i32
    %dma_start3A_132 = tpu.memref_slice %arg4[%add3A_129, %multiple_of3A_131] : memref<320000x256xf32, #tpu.memory_space<hbm>> -> memref<40x128xf32, #tpu.memory_space<hbm>>
    %dma_start3A_133 = tpu.memref_slice %arg4[%add3A_129, %multiple_of3A_131] : memref<320000x256xf32, #tpu.memory_space<hbm>> -> memref<40x128xf32, #tpu.memory_space<hbm>>
    tpu.enqueue_dma source(%arg10 : memref<40x128xf32, #tpu.memory_space<vmem>>) target(%dma_start3A_133 : memref<40x128xf32, #tpu.memory_space<hbm>>) target_semaphore(%arg20 : memref<!tpu.dma_semaphore, #tpu.memory_space<semaphore_mem>>)
    %add3A_134 = arith.constant 40 : i32
    %add3A_135 = arith.addi %mul3A_2, %add3A_134 : i32
    %multiple_of3A_136 = arith.constant 0 : i32
    %multiple_of3A_137 = tpu.assume_multiple %multiple_of3A_136, 128 : i32
    %dma_wait3A_138 = tpu.memref_slice %arg4[%add3A_135, %multiple_of3A_137] : memref<320000x256xf32, #tpu.memory_space<hbm>> -> memref<40x128xf32, #tpu.memory_space<hbm>>
    %dma_wait3A_139 = tpu.memref_slice %arg4[%add3A_135, %multiple_of3A_137] : memref<320000x256xf32, #tpu.memory_space<hbm>> -> memref<40x128xf32, #tpu.memory_space<hbm>>
    tpu.wait_dma2 semaphore(%arg19 : memref<!tpu.dma_semaphore, #tpu.memory_space<semaphore_mem>>) src(%arg9 : memref<40x128xf32, #tpu.memory_space<vmem>>) dst(%dma_wait3A_139 : memref<40x128xf32, #tpu.memory_space<hbm>>)
    %multiple_of3A_140 = arith.constant 120 : i32
    %multiple_of3A_141 = tpu.assume_multiple %multiple_of3A_140, 8 : i32
    %dma_start3A_142 = tpu.memref_slice %arg6[%multiple_of3A_141] : memref<20000xi32, #tpu.memory_space<vmem>> -> memref<40xi32, #tpu.memory_space<vmem>>
    %dma_start3A_143 = arith.constant 0 : i32
    %dma_start3A_144 = arith.constant 0 : i32
    %dma_start3A_145 = tpu.memref_slice %arg5[%dma_start3A_143, %dma_start3A_144] : memref<10000x128xf32, #tpu.memory_space<vmem_shared>> -> memref<10000x128xf32, #tpu.memory_space<vmem_shared>>
    tpu.enqueue_indirect_dma source(%dma_start3A_145 : memref<10000x128xf32, #tpu.memory_space<vmem_shared>>) target(%arg8 : memref<40x128xf32, #tpu.memory_space<vmem>>) offsets(%dma_start3A_142 : memref<40xi32, #tpu.memory_space<vmem>>) semaphore(%arg13 : memref<!tpu.dma_semaphore, #tpu.memory_space<semaphore_mem>>)
    %multiple_of3A_146 = arith.constant 80 : i32
    %multiple_of3A_147 = tpu.assume_multiple %multiple_of3A_146, 8 : i32
    %dma_wait3A_148 = tpu.memref_slice %arg6[%multiple_of3A_147] : memref<20000xi32, #tpu.memory_space<vmem>> -> memref<40xi32, #tpu.memory_space<vmem>>
    %dma_wait3A_149 = arith.constant 0 : i32
    %dma_wait3A_150 = arith.constant 0 : i32
    %dma_wait3A_151 = tpu.memref_slice %arg2[%dma_wait3A_149, %dma_wait3A_150] : memref<10000x128xf32, #tpu.memory_space<hbm>> -> memref<10000x128xf32, #tpu.memory_space<hbm>>
    tpu.wait_indirect_dma semaphore(%arg16 : memref<!tpu.dma_semaphore, #tpu.memory_space<semaphore_mem>>) src(%dma_wait3A_151 : memref<10000x128xf32, #tpu.memory_space<hbm>>) dst(%arg11 : memref<40x128xf32, #tpu.memory_space<vmem>>)
    %add3A_152 = arith.constant 80 : i32
    %add3A_153 = arith.addi %mul3A_2, %add3A_152 : i32
    %multiple_of3A_154 = arith.constant 0 : i32
    %multiple_of3A_155 = tpu.assume_multiple %multiple_of3A_154, 128 : i32
    %dma_start3A_156 = tpu.memref_slice %arg4[%add3A_153, %multiple_of3A_155] : memref<320000x256xf32, #tpu.memory_space<hbm>> -> memref<40x128xf32, #tpu.memory_space<hbm>>
    %dma_start3A_157 = tpu.memref_slice %arg4[%add3A_153, %multiple_of3A_155] : memref<320000x256xf32, #tpu.memory_space<hbm>> -> memref<40x128xf32, #tpu.memory_space<hbm>>
    tpu.enqueue_dma source(%arg11 : memref<40x128xf32, #tpu.memory_space<vmem>>) target(%dma_start3A_157 : memref<40x128xf32, #tpu.memory_space<hbm>>) target_semaphore(%arg21 : memref<!tpu.dma_semaphore, #tpu.memory_space<semaphore_mem>>)
    %add3A_158 = arith.constant 40 : i32
    %add3A_159 = arith.addi %mul3A_2, %add3A_158 : i32
    %multiple_of3A_160 = arith.constant 128 : i32
    %multiple_of3A_161 = tpu.assume_multiple %multiple_of3A_160, 128 : i32
    %dma_wait3A_162 = tpu.memref_slice %arg4[%add3A_159, %multiple_of3A_161] : memref<320000x256xf32, #tpu.memory_space<hbm>> -> memref<40x128xf32, #tpu.memory_space<hbm>>
    %dma_wait3A_163 = tpu.memref_slice %arg4[%add3A_159, %multiple_of3A_161] : memref<320000x256xf32, #tpu.memory_space<hbm>> -> memref<40x128xf32, #tpu.memory_space<hbm>>
    tpu.wait_dma2 semaphore(%arg20 : memref<!tpu.dma_semaphore, #tpu.memory_space<semaphore_mem>>) src(%arg10 : memref<40x128xf32, #tpu.memory_space<vmem>>) dst(%dma_wait3A_163 : memref<40x128xf32, #tpu.memory_space<hbm>>)
    %multiple_of3A_164 = arith.constant 10120 : i32
    %multiple_of3A_165 = tpu.assume_multiple %multiple_of3A_164, 8 : i32
    %dma_start3A_166 = tpu.memref_slice %arg6[%multiple_of3A_165] : memref<20000xi32, #tpu.memory_space<vmem>> -> memref<40xi32, #tpu.memory_space<vmem>>
    %dma_start3A_167 = arith.constant 0 : i32
    %dma_start3A_168 = arith.constant 0 : i32
    %dma_start3A_169 = tpu.memref_slice %arg5[%dma_start3A_167, %dma_start3A_168] : memref<10000x128xf32, #tpu.memory_space<vmem_shared>> -> memref<10000x128xf32, #tpu.memory_space<vmem_shared>>
    tpu.enqueue_indirect_dma source(%dma_start3A_169 : memref<10000x128xf32, #tpu.memory_space<vmem_shared>>) target(%arg9 : memref<40x128xf32, #tpu.memory_space<vmem>>) offsets(%dma_start3A_166 : memref<40xi32, #tpu.memory_space<vmem>>) semaphore(%arg14 : memref<!tpu.dma_semaphore, #tpu.memory_space<semaphore_mem>>)
    %scan3A = arith.constant 0 : i32
    %scan3A_170 = arith.constant 0 : i32
    %scan3A_171 = arith.constant 99 : i32
    %scan3A_172 = arith.addi %scan3A_170, %scan3A_171 : i32
    %scan3A_173 = arith.constant 1 : i32
    scf.for %scan3A_181 = %scan3A_170 to %scan3A_172 step %scan3A_173  : i32 {
      %mul3A_182 = arith.constant 5 : i32
      %mul3A_183 = arith.muli %mul3A_182, %scan3A_181 : i32
      %add3A_184 = arith.constant 5 : i32
      %add3A_185 = arith.addi %add3A_184, %mul3A_183 : i32
      %add3A_186 = arith.constant 0 : i32
      %add3A_187 = arith.addi %add3A_185, %add3A_186 : i32
      %jit3A = arith.constant 2 : i32
      %eq3A = arith.constant 0 : i32
      %eq3A_188 = arith.cmpi eq, %jit3A, %eq3A : i32
      %jit3A_189 = arith.constant 1 : i32
      %select_n3A = arith.select %eq3A_188, %jit3A_189, %jit3A : i32
      %rem3A = arith.remsi %add3A_187, %select_n3A : i32
      %ne3A = arith.constant 0 : i32
      %ne3A_190 = arith.cmpi ne, %rem3A, %ne3A : i32
      %lt3A = arith.constant 0 : i32
      %lt3A_191 = arith.cmpi slt, %rem3A, %lt3A : i32
      %lt3A_192 = arith.constant 0 : i32
      %lt3A_193 = arith.cmpi slt, %select_n3A, %lt3A_192 : i32
      %ne3A_194 = arith.xori %lt3A_191, %lt3A_193 : i1
      %and3A = arith.andi %ne3A_194, %ne3A_190 : i1
      %add3A_195 = arith.addi %rem3A, %select_n3A : i32
      %select_n3A_196 = arith.select %and3A, %add3A_195, %rem3A : i32
      %mul3A_197 = arith.constant 10000 : i32
      %mul3A_198 = arith.muli %select_n3A_196, %mul3A_197 : i32
      %jit3A_199 = arith.constant 2 : i32
      %div3A = arith.divsi %add3A_187, %jit3A_199 : i32
      %sign3A = arith.constant 0 : i32
      %sign3A_200 = arith.cmpi sgt, %add3A_187, %sign3A : i32
      %sign3A_201 = arith.extui %sign3A_200 : i1 to i32
      %sign3A_202 = arith.constant 0 : i32
      %sign3A_203 = arith.cmpi slt, %add3A_187, %sign3A_202 : i32
      %sign3A_204 = arith.extui %sign3A_203 : i1 to i32
      %sign3A_205 = arith.subi %sign3A_201, %sign3A_204 : i32
      %sign3A_206 = arith.constant 0 : i32
      %sign3A_207 = arith.cmpi sgt, %jit3A_199, %sign3A_206 : i32
      %sign3A_208 = arith.extui %sign3A_207 : i1 to i32
      %sign3A_209 = arith.constant 0 : i32
      %sign3A_210 = arith.cmpi slt, %jit3A_199, %sign3A_209 : i32
      %sign3A_211 = arith.extui %sign3A_210 : i1 to i32
      %sign3A_212 = arith.subi %sign3A_208, %sign3A_211 : i32
      %ne3A_213 = arith.cmpi ne, %sign3A_205, %sign3A_212 : i32
      %rem3A_214 = arith.remsi %add3A_187, %jit3A_199 : i32
      %ne3A_215 = arith.constant 0 : i32
      %ne3A_216 = arith.cmpi ne, %rem3A_214, %ne3A_215 : i32
      %and3A_217 = arith.andi %ne3A_213, %ne3A_216 : i1
      %sub3A = arith.constant 1 : i32
      %sub3A_218 = arith.subi %div3A, %sub3A : i32
      %select_n3A_219 = arith.select %and3A_217, %sub3A_218, %div3A : i32
      %mul3A_220 = arith.constant 40 : i32
      %mul3A_221 = arith.muli %select_n3A_219, %mul3A_220 : i32
      %add3A_222 = arith.addi %mul3A_198, %mul3A_221 : i32
      %multiple_of3A_223 = tpu.assume_multiple %add3A_222, 8 : i32
      %dma_wait3A_224 = tpu.memref_slice %arg6[%multiple_of3A_223] : memref<20000xi32, #tpu.memory_space<vmem>> -> memref<40xi32, #tpu.memory_space<vmem>>
      %dma_wait3A_225 = arith.constant 0 : i32
      %dma_wait3A_226 = arith.constant 0 : i32
      %dma_wait3A_227 = tpu.memref_slice %arg5[%dma_wait3A_225, %dma_wait3A_226] : memref<10000x128xf32, #tpu.memory_space<vmem_shared>> -> memref<10000x128xf32, #tpu.memory_space<vmem_shared>>
      tpu.wait_indirect_dma semaphore(%arg12 : memref<!tpu.dma_semaphore, #tpu.memory_space<semaphore_mem>>) src(%dma_wait3A_227 : memref<10000x128xf32, #tpu.memory_space<vmem_shared>>) dst(%arg7 : memref<40x128xf32, #tpu.memory_space<vmem>>)
      %jit3A_228 = arith.constant 2 : i32
      %div3A_229 = arith.divsi %add3A_187, %jit3A_228 : i32
      %sign3A_230 = arith.constant 0 : i32
      %sign3A_231 = arith.cmpi sgt, %add3A_187, %sign3A_230 : i32
      %sign3A_232 = arith.extui %sign3A_231 : i1 to i32
      %sign3A_233 = arith.constant 0 : i32
      %sign3A_234 = arith.cmpi slt, %add3A_187, %sign3A_233 : i32
      %sign3A_235 = arith.extui %sign3A_234 : i1 to i32
      %sign3A_236 = arith.subi %sign3A_232, %sign3A_235 : i32
      %sign3A_237 = arith.constant 0 : i32
      %sign3A_238 = arith.cmpi sgt, %jit3A_228, %sign3A_237 : i32
      %sign3A_239 = arith.extui %sign3A_238 : i1 to i32
      %sign3A_240 = arith.constant 0 : i32
      %sign3A_241 = arith.cmpi slt, %jit3A_228, %sign3A_240 : i32
      %sign3A_242 = arith.extui %sign3A_241 : i1 to i32
      %sign3A_243 = arith.subi %sign3A_239, %sign3A_242 : i32
      %ne3A_244 = arith.cmpi ne, %sign3A_236, %sign3A_243 : i32
      %rem3A_245 = arith.remsi %add3A_187, %jit3A_228 : i32
      %ne3A_246 = arith.constant 0 : i32
      %ne3A_247 = arith.cmpi ne, %rem3A_245, %ne3A_246 : i32
      %and3A_248 = arith.andi %ne3A_244, %ne3A_247 : i1
      %sub3A_249 = arith.constant 1 : i32
      %sub3A_250 = arith.subi %div3A_229, %sub3A_249 : i32
      %select_n3A_251 = arith.select %and3A_248, %sub3A_250, %div3A_229 : i32
      %mul3A_252 = arith.constant 40 : i32
      %mul3A_253 = arith.muli %select_n3A_251, %mul3A_252 : i32
      %add3A_254 = arith.addi %mul3A_2, %mul3A_253 : i32
      %jit3A_255 = arith.constant 2 : i32
      %eq3A_256 = arith.constant 0 : i32
      %eq3A_257 = arith.cmpi eq, %jit3A_255, %eq3A_256 : i32
      %jit3A_258 = arith.constant 1 : i32
      %select_n3A_259 = arith.select %eq3A_257, %jit3A_258, %jit3A_255 : i32
      %rem3A_260 = arith.remsi %add3A_187, %select_n3A_259 : i32
      %ne3A_261 = arith.constant 0 : i32
      %ne3A_262 = arith.cmpi ne, %rem3A_260, %ne3A_261 : i32
      %lt3A_263 = arith.constant 0 : i32
      %lt3A_264 = arith.cmpi slt, %rem3A_260, %lt3A_263 : i32
      %lt3A_265 = arith.constant 0 : i32
      %lt3A_266 = arith.cmpi slt, %select_n3A_259, %lt3A_265 : i32
      %ne3A_267 = arith.xori %lt3A_264, %lt3A_266 : i1
      %and3A_268 = arith.andi %ne3A_267, %ne3A_262 : i1
      %add3A_269 = arith.addi %rem3A_260, %select_n3A_259 : i32
      %select_n3A_270 = arith.select %and3A_268, %add3A_269, %rem3A_260 : i32
      %mul3A_271 = arith.constant 128 : i32
      %mul3A_272 = arith.muli %select_n3A_270, %mul3A_271 : i32
      %multiple_of3A_273 = tpu.assume_multiple %mul3A_272, 128 : i32
      %dma_start3A_274 = tpu.memref_slice %arg4[%add3A_254, %multiple_of3A_273] : memref<320000x256xf32, #tpu.memory_space<hbm>> -> memref<40x128xf32, #tpu.memory_space<hbm>>
      %dma_start3A_275 = tpu.memref_slice %arg4[%add3A_254, %multiple_of3A_273] : memref<320000x256xf32, #tpu.memory_space<hbm>> -> memref<40x128xf32, #tpu.memory_space<hbm>>
      tpu.enqueue_dma source(%arg7 : memref<40x128xf32, #tpu.memory_space<vmem>>) target(%dma_start3A_275 : memref<40x128xf32, #tpu.memory_space<hbm>>) target_semaphore(%arg17 : memref<!tpu.dma_semaphore, #tpu.memory_space<semaphore_mem>>)
      %gt3A = arith.constant 0 : i32
      %gt3A_276 = arith.cmpi sgt, %add3A_187, %gt3A : i32
      %convert_element_type3A = arith.extui %gt3A_276 : i1 to i32
      %cond3A = arith.constant 0 : i32
      %cond3A_277 = arith.cmpi ne, %convert_element_type3A, %cond3A : i32
      scf.if %cond3A_277 {
        %sub3A_743 = arith.constant 1 : i32
        %sub3A_744 = arith.subi %add3A_187, %sub3A_743 : i32
        %jit3A_745 = arith.constant 2 : i32
        %div3A_746 = arith.divsi %sub3A_744, %jit3A_745 : i32
        %sign3A_747 = arith.constant 0 : i32
        %sign3A_748 = arith.cmpi sgt, %sub3A_744, %sign3A_747 : i32
        %sign3A_749 = arith.extui %sign3A_748 : i1 to i32
        %sign3A_750 = arith.constant 0 : i32
        %sign3A_751 = arith.cmpi slt, %sub3A_744, %sign3A_750 : i32
        %sign3A_752 = arith.extui %sign3A_751 : i1 to i32
        %sign3A_753 = arith.subi %sign3A_749, %sign3A_752 : i32
        %sign3A_754 = arith.constant 0 : i32
        %sign3A_755 = arith.cmpi sgt, %jit3A_745, %sign3A_754 : i32
        %sign3A_756 = arith.extui %sign3A_755 : i1 to i32
        %sign3A_757 = arith.constant 0 : i32
        %sign3A_758 = arith.cmpi slt, %jit3A_745, %sign3A_757 : i32
        %sign3A_759 = arith.extui %sign3A_758 : i1 to i32
        %sign3A_760 = arith.subi %sign3A_756, %sign3A_759 : i32
        %ne3A_761 = arith.cmpi ne, %sign3A_753, %sign3A_760 : i32
        %rem3A_762 = arith.remsi %sub3A_744, %jit3A_745 : i32
        %ne3A_763 = arith.constant 0 : i32
        %ne3A_764 = arith.cmpi ne, %rem3A_762, %ne3A_763 : i32
        %and3A_765 = arith.andi %ne3A_761, %ne3A_764 : i1
        %sub3A_766 = arith.constant 1 : i32
        %sub3A_767 = arith.subi %div3A_746, %sub3A_766 : i32
        %select_n3A_768 = arith.select %and3A_765, %sub3A_767, %div3A_746 : i32
        %mul3A_769 = arith.constant 40 : i32
        %mul3A_770 = arith.muli %select_n3A_768, %mul3A_769 : i32
        %add3A_771 = arith.addi %mul3A_2, %mul3A_770 : i32
        %jit3A_772 = arith.constant 2 : i32
        %eq3A_773 = arith.constant 0 : i32
        %eq3A_774 = arith.cmpi eq, %jit3A_772, %eq3A_773 : i32
        %jit3A_775 = arith.constant 1 : i32
        %select_n3A_776 = arith.select %eq3A_774, %jit3A_775, %jit3A_772 : i32
        %rem3A_777 = arith.remsi %sub3A_744, %select_n3A_776 : i32
        %ne3A_778 = arith.constant 0 : i32
        %ne3A_779 = arith.cmpi ne, %rem3A_777, %ne3A_778 : i32
        %lt3A_780 = arith.constant 0 : i32
        %lt3A_781 = arith.cmpi slt, %rem3A_777, %lt3A_780 : i32
        %lt3A_782 = arith.constant 0 : i32
        %lt3A_783 = arith.cmpi slt, %select_n3A_776, %lt3A_782 : i32
        %ne3A_784 = arith.xori %lt3A_781, %lt3A_783 : i1
        %and3A_785 = arith.andi %ne3A_784, %ne3A_779 : i1
        %add3A_786 = arith.addi %rem3A_777, %select_n3A_776 : i32
        %select_n3A_787 = arith.select %and3A_785, %add3A_786, %rem3A_777 : i32
        %mul3A_788 = arith.constant 128 : i32
        %mul3A_789 = arith.muli %select_n3A_787, %mul3A_788 : i32
        %multiple_of3A_790 = tpu.assume_multiple %mul3A_789, 128 : i32
        %dma_wait3A_791 = tpu.memref_slice %arg4[%add3A_771, %multiple_of3A_790] : memref<320000x256xf32, #tpu.memory_space<hbm>> -> memref<40x128xf32, #tpu.memory_space<hbm>>
        %dma_wait3A_792 = tpu.memref_slice %arg4[%add3A_771, %multiple_of3A_790] : memref<320000x256xf32, #tpu.memory_space<hbm>> -> memref<40x128xf32, #tpu.memory_space<hbm>>
        tpu.wait_dma2 semaphore(%arg21 : memref<!tpu.dma_semaphore, #tpu.memory_space<semaphore_mem>>) src(%arg11 : memref<40x128xf32, #tpu.memory_space<vmem>>) dst(%dma_wait3A_792 : memref<40x128xf32, #tpu.memory_space<hbm>>)
      } else {
      }
      %add3A_278 = arith.constant 5 : i32
      %add3A_279 = arith.addi %add3A_187, %add3A_278 : i32
      %sub3A_280 = arith.constant 2 : i32
      %sub3A_281 = arith.subi %add3A_279, %sub3A_280 : i32
      %lt3A_282 = arith.constant 500 : i32
      %lt3A_283 = arith.cmpi slt, %sub3A_281, %lt3A_282 : i32
      %convert_element_type3A_284 = arith.extui %lt3A_283 : i1 to i32
      %cond3A_285 = arith.constant 0 : i32
      %cond3A_286 = arith.cmpi ne, %convert_element_type3A_284, %cond3A_285 : i32
      scf.if %cond3A_286 {
        %add3A_743 = arith.constant 5 : i32
        %add3A_744 = arith.addi %add3A_187, %add3A_743 : i32
        %sub3A_745 = arith.constant 2 : i32
        %sub3A_746 = arith.subi %add3A_744, %sub3A_745 : i32
        %jit3A_747 = arith.constant 2 : i32
        %eq3A_748 = arith.constant 0 : i32
        %eq3A_749 = arith.cmpi eq, %jit3A_747, %eq3A_748 : i32
        %jit3A_750 = arith.constant 1 : i32
        %select_n3A_751 = arith.select %eq3A_749, %jit3A_750, %jit3A_747 : i32
        %rem3A_752 = arith.remsi %sub3A_746, %select_n3A_751 : i32
        %ne3A_753 = arith.constant 0 : i32
        %ne3A_754 = arith.cmpi ne, %rem3A_752, %ne3A_753 : i32
        %lt3A_755 = arith.constant 0 : i32
        %lt3A_756 = arith.cmpi slt, %rem3A_752, %lt3A_755 : i32
        %lt3A_757 = arith.constant 0 : i32
        %lt3A_758 = arith.cmpi slt, %select_n3A_751, %lt3A_757 : i32
        %ne3A_759 = arith.xori %lt3A_756, %lt3A_758 : i1
        %and3A_760 = arith.andi %ne3A_759, %ne3A_754 : i1
        %add3A_761 = arith.addi %rem3A_752, %select_n3A_751 : i32
        %select_n3A_762 = arith.select %and3A_760, %add3A_761, %rem3A_752 : i32
        %mul3A_763 = arith.constant 10000 : i32
        %mul3A_764 = arith.muli %select_n3A_762, %mul3A_763 : i32
        %jit3A_765 = arith.constant 2 : i32
        %div3A_766 = arith.divsi %sub3A_746, %jit3A_765 : i32
        %sign3A_767 = arith.constant 0 : i32
        %sign3A_768 = arith.cmpi sgt, %sub3A_746, %sign3A_767 : i32
        %sign3A_769 = arith.extui %sign3A_768 : i1 to i32
        %sign3A_770 = arith.constant 0 : i32
        %sign3A_771 = arith.cmpi slt, %sub3A_746, %sign3A_770 : i32
        %sign3A_772 = arith.extui %sign3A_771 : i1 to i32
        %sign3A_773 = arith.subi %sign3A_769, %sign3A_772 : i32
        %sign3A_774 = arith.constant 0 : i32
        %sign3A_775 = arith.cmpi sgt, %jit3A_765, %sign3A_774 : i32
        %sign3A_776 = arith.extui %sign3A_775 : i1 to i32
        %sign3A_777 = arith.constant 0 : i32
        %sign3A_778 = arith.cmpi slt, %jit3A_765, %sign3A_777 : i32
        %sign3A_779 = arith.extui %sign3A_778 : i1 to i32
        %sign3A_780 = arith.subi %sign3A_776, %sign3A_779 : i32
        %ne3A_781 = arith.cmpi ne, %sign3A_773, %sign3A_780 : i32
        %rem3A_782 = arith.remsi %sub3A_746, %jit3A_765 : i32
        %ne3A_783 = arith.constant 0 : i32
        %ne3A_784 = arith.cmpi ne, %rem3A_782, %ne3A_783 : i32
        %and3A_785 = arith.andi %ne3A_781, %ne3A_784 : i1
        %sub3A_786 = arith.constant 1 : i32
        %sub3A_787 = arith.subi %div3A_766, %sub3A_786 : i32
        %select_n3A_788 = arith.select %and3A_785, %sub3A_787, %div3A_766 : i32
        %mul3A_789 = arith.constant 40 : i32
        %mul3A_790 = arith.muli %select_n3A_788, %mul3A_789 : i32
        %add3A_791 = arith.addi %mul3A_764, %mul3A_790 : i32
        %multiple_of3A_792 = tpu.assume_multiple %add3A_791, 8 : i32
        %dma_start3A_793 = tpu.memref_slice %arg6[%multiple_of3A_792] : memref<20000xi32, #tpu.memory_space<vmem>> -> memref<40xi32, #tpu.memory_space<vmem>>
        %dma_start3A_794 = arith.constant 0 : i32
        %dma_start3A_795 = arith.constant 0 : i32
        %dma_start3A_796 = tpu.memref_slice %arg5[%dma_start3A_794, %dma_start3A_795] : memref<10000x128xf32, #tpu.memory_space<vmem_shared>> -> memref<10000x128xf32, #tpu.memory_space<vmem_shared>>
        tpu.enqueue_indirect_dma source(%dma_start3A_796 : memref<10000x128xf32, #tpu.memory_space<vmem_shared>>) target(%arg10 : memref<40x128xf32, #tpu.memory_space<vmem>>) offsets(%dma_start3A_793 : memref<40xi32, #tpu.memory_space<vmem>>) semaphore(%arg15 : memref<!tpu.dma_semaphore, #tpu.memory_space<semaphore_mem>>)
      } else {
      }
      %add3A_287 = arith.constant 1 : i32
      %add3A_288 = arith.addi %add3A_185, %add3A_287 : i32
      %jit3A_289 = arith.constant 2 : i32
      %eq3A_290 = arith.constant 0 : i32
      %eq3A_291 = arith.cmpi eq, %jit3A_289, %eq3A_290 : i32
      %jit3A_292 = arith.constant 1 : i32
      %select_n3A_293 = arith.select %eq3A_291, %jit3A_292, %jit3A_289 : i32
      %rem3A_294 = arith.remsi %add3A_288, %select_n3A_293 : i32
      %ne3A_295 = arith.constant 0 : i32
      %ne3A_296 = arith.cmpi ne, %rem3A_294, %ne3A_295 : i32
      %lt3A_297 = arith.constant 0 : i32
      %lt3A_298 = arith.cmpi slt, %rem3A_294, %lt3A_297 : i32
      %lt3A_299 = arith.constant 0 : i32
      %lt3A_300 = arith.cmpi slt, %select_n3A_293, %lt3A_299 : i32
      %ne3A_301 = arith.xori %lt3A_298, %lt3A_300 : i1
      %and3A_302 = arith.andi %ne3A_301, %ne3A_296 : i1
      %add3A_303 = arith.addi %rem3A_294, %select_n3A_293 : i32
      %select_n3A_304 = arith.select %and3A_302, %add3A_303, %rem3A_294 : i32
      %mul3A_305 = arith.constant 10000 : i32
      %mul3A_306 = arith.muli %select_n3A_304, %mul3A_305 : i32
      %jit3A_307 = arith.constant 2 : i32
      %div3A_308 = arith.divsi %add3A_288, %jit3A_307 : i32
      %sign3A_309 = arith.constant 0 : i32
      %sign3A_310 = arith.cmpi sgt, %add3A_288, %sign3A_309 : i32
      %sign3A_311 = arith.extui %sign3A_310 : i1 to i32
      %sign3A_312 = arith.constant 0 : i32
      %sign3A_313 = arith.cmpi slt, %add3A_288, %sign3A_312 : i32
      %sign3A_314 = arith.extui %sign3A_313 : i1 to i32
      %sign3A_315 = arith.subi %sign3A_311, %sign3A_314 : i32
      %sign3A_316 = arith.constant 0 : i32
      %sign3A_317 = arith.cmpi sgt, %jit3A_307, %sign3A_316 : i32
      %sign3A_318 = arith.extui %sign3A_317 : i1 to i32
      %sign3A_319 = arith.constant 0 : i32
      %sign3A_320 = arith.cmpi slt, %jit3A_307, %sign3A_319 : i32
      %sign3A_321 = arith.extui %sign3A_320 : i1 to i32
      %sign3A_322 = arith.subi %sign3A_318, %sign3A_321 : i32
      %ne3A_323 = arith.cmpi ne, %sign3A_315, %sign3A_322 : i32
      %rem3A_324 = arith.remsi %add3A_288, %jit3A_307 : i32
      %ne3A_325 = arith.constant 0 : i32
      %ne3A_326 = arith.cmpi ne, %rem3A_324, %ne3A_325 : i32
      %and3A_327 = arith.andi %ne3A_323, %ne3A_326 : i1
      %sub3A_328 = arith.constant 1 : i32
      %sub3A_329 = arith.subi %div3A_308, %sub3A_328 : i32
      %select_n3A_330 = arith.select %and3A_327, %sub3A_329, %div3A_308 : i32
      %mul3A_331 = arith.constant 40 : i32
      %mul3A_332 = arith.muli %select_n3A_330, %mul3A_331 : i32
      %add3A_333 = arith.addi %mul3A_306, %mul3A_332 : i32
      %multiple_of3A_334 = tpu.assume_multiple %add3A_333, 8 : i32
      %dma_wait3A_335 = tpu.memref_slice %arg6[%multiple_of3A_334] : memref<20000xi32, #tpu.memory_space<vmem>> -> memref<40xi32, #tpu.memory_space<vmem>>
      %dma_wait3A_336 = arith.constant 0 : i32
      %dma_wait3A_337 = arith.constant 0 : i32
      %dma_wait3A_338 = tpu.memref_slice %arg5[%dma_wait3A_336, %dma_wait3A_337] : memref<10000x128xf32, #tpu.memory_space<vmem_shared>> -> memref<10000x128xf32, #tpu.memory_space<vmem_shared>>
      tpu.wait_indirect_dma semaphore(%arg13 : memref<!tpu.dma_semaphore, #tpu.memory_space<semaphore_mem>>) src(%dma_wait3A_338 : memref<10000x128xf32, #tpu.memory_space<vmem_shared>>) dst(%arg8 : memref<40x128xf32, #tpu.memory_space<vmem>>)
      %jit3A_339 = arith.constant 2 : i32
      %div3A_340 = arith.divsi %add3A_288, %jit3A_339 : i32
      %sign3A_341 = arith.constant 0 : i32
      %sign3A_342 = arith.cmpi sgt, %add3A_288, %sign3A_341 : i32
      %sign3A_343 = arith.extui %sign3A_342 : i1 to i32
      %sign3A_344 = arith.constant 0 : i32
      %sign3A_345 = arith.cmpi slt, %add3A_288, %sign3A_344 : i32
      %sign3A_346 = arith.extui %sign3A_345 : i1 to i32
      %sign3A_347 = arith.subi %sign3A_343, %sign3A_346 : i32
      %sign3A_348 = arith.constant 0 : i32
      %sign3A_349 = arith.cmpi sgt, %jit3A_339, %sign3A_348 : i32
      %sign3A_350 = arith.extui %sign3A_349 : i1 to i32
      %sign3A_351 = arith.constant 0 : i32
      %sign3A_352 = arith.cmpi slt, %jit3A_339, %sign3A_351 : i32
      %sign3A_353 = arith.extui %sign3A_352 : i1 to i32
      %sign3A_354 = arith.subi %sign3A_350, %sign3A_353 : i32
      %ne3A_355 = arith.cmpi ne, %sign3A_347, %sign3A_354 : i32
      %rem3A_356 = arith.remsi %add3A_288, %jit3A_339 : i32
      %ne3A_357 = arith.constant 0 : i32
      %ne3A_358 = arith.cmpi ne, %rem3A_356, %ne3A_357 : i32
      %and3A_359 = arith.andi %ne3A_355, %ne3A_358 : i1
      %sub3A_360 = arith.constant 1 : i32
      %sub3A_361 = arith.subi %div3A_340, %sub3A_360 : i32
      %select_n3A_362 = arith.select %and3A_359, %sub3A_361, %div3A_340 : i32
      %mul3A_363 = arith.constant 40 : i32
      %mul3A_364 = arith.muli %select_n3A_362, %mul3A_363 : i32
      %add3A_365 = arith.addi %mul3A_2, %mul3A_364 : i32
      %jit3A_366 = arith.constant 2 : i32
      %eq3A_367 = arith.constant 0 : i32
      %eq3A_368 = arith.cmpi eq, %jit3A_366, %eq3A_367 : i32
      %jit3A_369 = arith.constant 1 : i32
      %select_n3A_370 = arith.select %eq3A_368, %jit3A_369, %jit3A_366 : i32
      %rem3A_371 = arith.remsi %add3A_288, %select_n3A_370 : i32
      %ne3A_372 = arith.constant 0 : i32
      %ne3A_373 = arith.cmpi ne, %rem3A_371, %ne3A_372 : i32
      %lt3A_374 = arith.constant 0 : i32
      %lt3A_375 = arith.cmpi slt, %rem3A_371, %lt3A_374 : i32
      %lt3A_376 = arith.constant 0 : i32
      %lt3A_377 = arith.cmpi slt, %select_n3A_370, %lt3A_376 : i32
      %ne3A_378 = arith.xori %lt3A_375, %lt3A_377 : i1
      %and3A_379 = arith.andi %ne3A_378, %ne3A_373 : i1
      %add3A_380 = arith.addi %rem3A_371, %select_n3A_370 : i32
      %select_n3A_381 = arith.select %and3A_379, %add3A_380, %rem3A_371 : i32
      %mul3A_382 = arith.constant 128 : i32
      %mul3A_383 = arith.muli %select_n3A_381, %mul3A_382 : i32
      %multiple_of3A_384 = tpu.assume_multiple %mul3A_383, 128 : i32
      %dma_start3A_385 = tpu.memref_slice %arg4[%add3A_365, %multiple_of3A_384] : memref<320000x256xf32, #tpu.memory_space<hbm>> -> memref<40x128xf32, #tpu.memory_space<hbm>>
      %dma_start3A_386 = tpu.memref_slice %arg4[%add3A_365, %multiple_of3A_384] : memref<320000x256xf32, #tpu.memory_space<hbm>> -> memref<40x128xf32, #tpu.memory_space<hbm>>
      tpu.enqueue_dma source(%arg8 : memref<40x128xf32, #tpu.memory_space<vmem>>) target(%dma_start3A_386 : memref<40x128xf32, #tpu.memory_space<hbm>>) target_semaphore(%arg18 : memref<!tpu.dma_semaphore, #tpu.memory_space<semaphore_mem>>)
      %gt3A_387 = arith.constant 0 : i32
      %gt3A_388 = arith.cmpi sgt, %add3A_288, %gt3A_387 : i32
      %convert_element_type3A_389 = arith.extui %gt3A_388 : i1 to i32
      %cond3A_390 = arith.constant 0 : i32
      %cond3A_391 = arith.cmpi ne, %convert_element_type3A_389, %cond3A_390 : i32
      scf.if %cond3A_391 {
        %sub3A_743 = arith.constant 1 : i32
        %sub3A_744 = arith.subi %add3A_288, %sub3A_743 : i32
        %jit3A_745 = arith.constant 2 : i32
        %div3A_746 = arith.divsi %sub3A_744, %jit3A_745 : i32
        %sign3A_747 = arith.constant 0 : i32
        %sign3A_748 = arith.cmpi sgt, %sub3A_744, %sign3A_747 : i32
        %sign3A_749 = arith.extui %sign3A_748 : i1 to i32
        %sign3A_750 = arith.constant 0 : i32
        %sign3A_751 = arith.cmpi slt, %sub3A_744, %sign3A_750 : i32
        %sign3A_752 = arith.extui %sign3A_751 : i1 to i32
        %sign3A_753 = arith.subi %sign3A_749, %sign3A_752 : i32
        %sign3A_754 = arith.constant 0 : i32
        %sign3A_755 = arith.cmpi sgt, %jit3A_745, %sign3A_754 : i32
        %sign3A_756 = arith.extui %sign3A_755 : i1 to i32
        %sign3A_757 = arith.constant 0 : i32
        %sign3A_758 = arith.cmpi slt, %jit3A_745, %sign3A_757 : i32
        %sign3A_759 = arith.extui %sign3A_758 : i1 to i32
        %sign3A_760 = arith.subi %sign3A_756, %sign3A_759 : i32
        %ne3A_761 = arith.cmpi ne, %sign3A_753, %sign3A_760 : i32
        %rem3A_762 = arith.remsi %sub3A_744, %jit3A_745 : i32
        %ne3A_763 = arith.constant 0 : i32
        %ne3A_764 = arith.cmpi ne, %rem3A_762, %ne3A_763 : i32
        %and3A_765 = arith.andi %ne3A_761, %ne3A_764 : i1
        %sub3A_766 = arith.constant 1 : i32
        %sub3A_767 = arith.subi %div3A_746, %sub3A_766 : i32
        %select_n3A_768 = arith.select %and3A_765, %sub3A_767, %div3A_746 : i32
        %mul3A_769 = arith.constant 40 : i32
        %mul3A_770 = arith.muli %select_n3A_768, %mul3A_769 : i32
        %add3A_771 = arith.addi %mul3A_2, %mul3A_770 : i32
        %jit3A_772 = arith.constant 2 : i32
        %eq3A_773 = arith.constant 0 : i32
        %eq3A_774 = arith.cmpi eq, %jit3A_772, %eq3A_773 : i32
        %jit3A_775 = arith.constant 1 : i32
        %select_n3A_776 = arith.select %eq3A_774, %jit3A_775, %jit3A_772 : i32
        %rem3A_777 = arith.remsi %sub3A_744, %select_n3A_776 : i32
        %ne3A_778 = arith.constant 0 : i32
        %ne3A_779 = arith.cmpi ne, %rem3A_777, %ne3A_778 : i32
        %lt3A_780 = arith.constant 0 : i32
        %lt3A_781 = arith.cmpi slt, %rem3A_777, %lt3A_780 : i32
        %lt3A_782 = arith.constant 0 : i32
        %lt3A_783 = arith.cmpi slt, %select_n3A_776, %lt3A_782 : i32
        %ne3A_784 = arith.xori %lt3A_781, %lt3A_783 : i1
        %and3A_785 = arith.andi %ne3A_784, %ne3A_779 : i1
        %add3A_786 = arith.addi %rem3A_777, %select_n3A_776 : i32
        %select_n3A_787 = arith.select %and3A_785, %add3A_786, %rem3A_777 : i32
        %mul3A_788 = arith.constant 128 : i32
        %mul3A_789 = arith.muli %select_n3A_787, %mul3A_788 : i32
        %multiple_of3A_790 = tpu.assume_multiple %mul3A_789, 128 : i32
        %dma_wait3A_791 = tpu.memref_slice %arg4[%add3A_771, %multiple_of3A_790] : memref<320000x256xf32, #tpu.memory_space<hbm>> -> memref<40x128xf32, #tpu.memory_space<hbm>>
        %dma_wait3A_792 = tpu.memref_slice %arg4[%add3A_771, %multiple_of3A_790] : memref<320000x256xf32, #tpu.memory_space<hbm>> -> memref<40x128xf32, #tpu.memory_space<hbm>>
        tpu.wait_dma2 semaphore(%arg17 : memref<!tpu.dma_semaphore, #tpu.memory_space<semaphore_mem>>) src(%arg7 : memref<40x128xf32, #tpu.memory_space<vmem>>) dst(%dma_wait3A_792 : memref<40x128xf32, #tpu.memory_space<hbm>>)
      } else {
      }
      %add3A_392 = arith.constant 5 : i32
      %add3A_393 = arith.addi %add3A_288, %add3A_392 : i32
      %sub3A_394 = arith.constant 2 : i32
      %sub3A_395 = arith.subi %add3A_393, %sub3A_394 : i32
      %lt3A_396 = arith.constant 500 : i32
      %lt3A_397 = arith.cmpi slt, %sub3A_395, %lt3A_396 : i32
      %convert_element_type3A_398 = arith.extui %lt3A_397 : i1 to i32
      %cond3A_399 = arith.constant 0 : i32
      %cond3A_400 = arith.cmpi ne, %convert_element_type3A_398, %cond3A_399 : i32
      scf.if %cond3A_400 {
        %add3A_743 = arith.constant 5 : i32
        %add3A_744 = arith.addi %add3A_288, %add3A_743 : i32
        %sub3A_745 = arith.constant 2 : i32
        %sub3A_746 = arith.subi %add3A_744, %sub3A_745 : i32
        %jit3A_747 = arith.constant 2 : i32
        %eq3A_748 = arith.constant 0 : i32
        %eq3A_749 = arith.cmpi eq, %jit3A_747, %eq3A_748 : i32
        %jit3A_750 = arith.constant 1 : i32
        %select_n3A_751 = arith.select %eq3A_749, %jit3A_750, %jit3A_747 : i32
        %rem3A_752 = arith.remsi %sub3A_746, %select_n3A_751 : i32
        %ne3A_753 = arith.constant 0 : i32
        %ne3A_754 = arith.cmpi ne, %rem3A_752, %ne3A_753 : i32
        %lt3A_755 = arith.constant 0 : i32
        %lt3A_756 = arith.cmpi slt, %rem3A_752, %lt3A_755 : i32
        %lt3A_757 = arith.constant 0 : i32
        %lt3A_758 = arith.cmpi slt, %select_n3A_751, %lt3A_757 : i32
        %ne3A_759 = arith.xori %lt3A_756, %lt3A_758 : i1
        %and3A_760 = arith.andi %ne3A_759, %ne3A_754 : i1
        %add3A_761 = arith.addi %rem3A_752, %select_n3A_751 : i32
        %select_n3A_762 = arith.select %and3A_760, %add3A_761, %rem3A_752 : i32
        %mul3A_763 = arith.constant 10000 : i32
        %mul3A_764 = arith.muli %select_n3A_762, %mul3A_763 : i32
        %jit3A_765 = arith.constant 2 : i32
        %div3A_766 = arith.divsi %sub3A_746, %jit3A_765 : i32
        %sign3A_767 = arith.constant 0 : i32
        %sign3A_768 = arith.cmpi sgt, %sub3A_746, %sign3A_767 : i32
        %sign3A_769 = arith.extui %sign3A_768 : i1 to i32
        %sign3A_770 = arith.constant 0 : i32
        %sign3A_771 = arith.cmpi slt, %sub3A_746, %sign3A_770 : i32
        %sign3A_772 = arith.extui %sign3A_771 : i1 to i32
        %sign3A_773 = arith.subi %sign3A_769, %sign3A_772 : i32
        %sign3A_774 = arith.constant 0 : i32
        %sign3A_775 = arith.cmpi sgt, %jit3A_765, %sign3A_774 : i32
        %sign3A_776 = arith.extui %sign3A_775 : i1 to i32
        %sign3A_777 = arith.constant 0 : i32
        %sign3A_778 = arith.cmpi slt, %jit3A_765, %sign3A_777 : i32
        %sign3A_779 = arith.extui %sign3A_778 : i1 to i32
        %sign3A_780 = arith.subi %sign3A_776, %sign3A_779 : i32
        %ne3A_781 = arith.cmpi ne, %sign3A_773, %sign3A_780 : i32
        %rem3A_782 = arith.remsi %sub3A_746, %jit3A_765 : i32
        %ne3A_783 = arith.constant 0 : i32
        %ne3A_784 = arith.cmpi ne, %rem3A_782, %ne3A_783 : i32
        %and3A_785 = arith.andi %ne3A_781, %ne3A_784 : i1
        %sub3A_786 = arith.constant 1 : i32
        %sub3A_787 = arith.subi %div3A_766, %sub3A_786 : i32
        %select_n3A_788 = arith.select %and3A_785, %sub3A_787, %div3A_766 : i32
        %mul3A_789 = arith.constant 40 : i32
        %mul3A_790 = arith.muli %select_n3A_788, %mul3A_789 : i32
        %add3A_791 = arith.addi %mul3A_764, %mul3A_790 : i32
        %multiple_of3A_792 = tpu.assume_multiple %add3A_791, 8 : i32
        %dma_start3A_793 = tpu.memref_slice %arg6[%multiple_of3A_792] : memref<20000xi32, #tpu.memory_space<vmem>> -> memref<40xi32, #tpu.memory_space<vmem>>
        %dma_start3A_794 = arith.constant 0 : i32
        %dma_start3A_795 = arith.constant 0 : i32
        %dma_start3A_796 = tpu.memref_slice %arg5[%dma_start3A_794, %dma_start3A_795] : memref<10000x128xf32, #tpu.memory_space<vmem_shared>> -> memref<10000x128xf32, #tpu.memory_space<vmem_shared>>
        tpu.enqueue_indirect_dma source(%dma_start3A_796 : memref<10000x128xf32, #tpu.memory_space<vmem_shared>>) target(%arg11 : memref<40x128xf32, #tpu.memory_space<vmem>>) offsets(%dma_start3A_793 : memref<40xi32, #tpu.memory_space<vmem>>) semaphore(%arg16 : memref<!tpu.dma_semaphore, #tpu.memory_space<semaphore_mem>>)
      } else {
      }
      %add3A_401 = arith.constant 2 : i32
      %add3A_402 = arith.addi %add3A_185, %add3A_401 : i32
      %jit3A_403 = arith.constant 2 : i32
      %eq3A_404 = arith.constant 0 : i32
      %eq3A_405 = arith.cmpi eq, %jit3A_403, %eq3A_404 : i32
      %jit3A_406 = arith.constant 1 : i32
      %select_n3A_407 = arith.select %eq3A_405, %jit3A_406, %jit3A_403 : i32
      %rem3A_408 = arith.remsi %add3A_402, %select_n3A_407 : i32
      %ne3A_409 = arith.constant 0 : i32
      %ne3A_410 = arith.cmpi ne, %rem3A_408, %ne3A_409 : i32
      %lt3A_411 = arith.constant 0 : i32
      %lt3A_412 = arith.cmpi slt, %rem3A_408, %lt3A_411 : i32
      %lt3A_413 = arith.constant 0 : i32
      %lt3A_414 = arith.cmpi slt, %select_n3A_407, %lt3A_413 : i32
      %ne3A_415 = arith.xori %lt3A_412, %lt3A_414 : i1
      %and3A_416 = arith.andi %ne3A_415, %ne3A_410 : i1
      %add3A_417 = arith.addi %rem3A_408, %select_n3A_407 : i32
      %select_n3A_418 = arith.select %and3A_416, %add3A_417, %rem3A_408 : i32
      %mul3A_419 = arith.constant 10000 : i32
      %mul3A_420 = arith.muli %select_n3A_418, %mul3A_419 : i32
      %jit3A_421 = arith.constant 2 : i32
      %div3A_422 = arith.divsi %add3A_402, %jit3A_421 : i32
      %sign3A_423 = arith.constant 0 : i32
      %sign3A_424 = arith.cmpi sgt, %add3A_402, %sign3A_423 : i32
      %sign3A_425 = arith.extui %sign3A_424 : i1 to i32
      %sign3A_426 = arith.constant 0 : i32
      %sign3A_427 = arith.cmpi slt, %add3A_402, %sign3A_426 : i32
      %sign3A_428 = arith.extui %sign3A_427 : i1 to i32
      %sign3A_429 = arith.subi %sign3A_425, %sign3A_428 : i32
      %sign3A_430 = arith.constant 0 : i32
      %sign3A_431 = arith.cmpi sgt, %jit3A_421, %sign3A_430 : i32
      %sign3A_432 = arith.extui %sign3A_431 : i1 to i32
      %sign3A_433 = arith.constant 0 : i32
      %sign3A_434 = arith.cmpi slt, %jit3A_421, %sign3A_433 : i32
      %sign3A_435 = arith.extui %sign3A_434 : i1 to i32
      %sign3A_436 = arith.subi %sign3A_432, %sign3A_435 : i32
      %ne3A_437 = arith.cmpi ne, %sign3A_429, %sign3A_436 : i32
      %rem3A_438 = arith.remsi %add3A_402, %jit3A_421 : i32
      %ne3A_439 = arith.constant 0 : i32
      %ne3A_440 = arith.cmpi ne, %rem3A_438, %ne3A_439 : i32
      %and3A_441 = arith.andi %ne3A_437, %ne3A_440 : i1
      %sub3A_442 = arith.constant 1 : i32
      %sub3A_443 = arith.subi %div3A_422, %sub3A_442 : i32
      %select_n3A_444 = arith.select %and3A_441, %sub3A_443, %div3A_422 : i32
      %mul3A_445 = arith.constant 40 : i32
      %mul3A_446 = arith.muli %select_n3A_444, %mul3A_445 : i32
      %add3A_447 = arith.addi %mul3A_420, %mul3A_446 : i32
      %multiple_of3A_448 = tpu.assume_multiple %add3A_447, 8 : i32
      %dma_wait3A_449 = tpu.memref_slice %arg6[%multiple_of3A_448] : memref<20000xi32, #tpu.memory_space<vmem>> -> memref<40xi32, #tpu.memory_space<vmem>>
      %dma_wait3A_450 = arith.constant 0 : i32
      %dma_wait3A_451 = arith.constant 0 : i32
      %dma_wait3A_452 = tpu.memref_slice %arg5[%dma_wait3A_450, %dma_wait3A_451] : memref<10000x128xf32, #tpu.memory_space<vmem_shared>> -> memref<10000x128xf32, #tpu.memory_space<vmem_shared>>
      tpu.wait_indirect_dma semaphore(%arg14 : memref<!tpu.dma_semaphore, #tpu.memory_space<semaphore_mem>>) src(%dma_wait3A_452 : memref<10000x128xf32, #tpu.memory_space<vmem_shared>>) dst(%arg9 : memref<40x128xf32, #tpu.memory_space<vmem>>)
      %jit3A_453 = arith.constant 2 : i32
      %div3A_454 = arith.divsi %add3A_402, %jit3A_453 : i32
      %sign3A_455 = arith.constant 0 : i32
      %sign3A_456 = arith.cmpi sgt, %add3A_402, %sign3A_455 : i32
      %sign3A_457 = arith.extui %sign3A_456 : i1 to i32
      %sign3A_458 = arith.constant 0 : i32
      %sign3A_459 = arith.cmpi slt, %add3A_402, %sign3A_458 : i32
      %sign3A_460 = arith.extui %sign3A_459 : i1 to i32
      %sign3A_461 = arith.subi %sign3A_457, %sign3A_460 : i32
      %sign3A_462 = arith.constant 0 : i32
      %sign3A_463 = arith.cmpi sgt, %jit3A_453, %sign3A_462 : i32
      %sign3A_464 = arith.extui %sign3A_463 : i1 to i32
      %sign3A_465 = arith.constant 0 : i32
      %sign3A_466 = arith.cmpi slt, %jit3A_453, %sign3A_465 : i32
      %sign3A_467 = arith.extui %sign3A_466 : i1 to i32
      %sign3A_468 = arith.subi %sign3A_464, %sign3A_467 : i32
      %ne3A_469 = arith.cmpi ne, %sign3A_461, %sign3A_468 : i32
      %rem3A_470 = arith.remsi %add3A_402, %jit3A_453 : i32
      %ne3A_471 = arith.constant 0 : i32
      %ne3A_472 = arith.cmpi ne, %rem3A_470, %ne3A_471 : i32
      %and3A_473 = arith.andi %ne3A_469, %ne3A_472 : i1
      %sub3A_474 = arith.constant 1 : i32
      %sub3A_475 = arith.subi %div3A_454, %sub3A_474 : i32
      %select_n3A_476 = arith.select %and3A_473, %sub3A_475, %div3A_454 : i32
      %mul3A_477 = arith.constant 40 : i32
      %mul3A_478 = arith.muli %select_n3A_476, %mul3A_477 : i32
      %add3A_479 = arith.addi %mul3A_2, %mul3A_478 : i32
      %jit3A_480 = arith.constant 2 : i32
      %eq3A_481 = arith.constant 0 : i32
      %eq3A_482 = arith.cmpi eq, %jit3A_480, %eq3A_481 : i32
      %jit3A_483 = arith.constant 1 : i32
      %select_n3A_484 = arith.select %eq3A_482, %jit3A_483, %jit3A_480 : i32
      %rem3A_485 = arith.remsi %add3A_402, %select_n3A_484 : i32
      %ne3A_486 = arith.constant 0 : i32
      %ne3A_487 = arith.cmpi ne, %rem3A_485, %ne3A_486 : i32
      %lt3A_488 = arith.constant 0 : i32
      %lt3A_489 = arith.cmpi slt, %rem3A_485, %lt3A_488 : i32
      %lt3A_490 = arith.constant 0 : i32
      %lt3A_491 = arith.cmpi slt, %select_n3A_484, %lt3A_490 : i32
      %ne3A_492 = arith.xori %lt3A_489, %lt3A_491 : i1
      %and3A_493 = arith.andi %ne3A_492, %ne3A_487 : i1
      %add3A_494 = arith.addi %rem3A_485, %select_n3A_484 : i32
      %select_n3A_495 = arith.select %and3A_493, %add3A_494, %rem3A_485 : i32
      %mul3A_496 = arith.constant 128 : i32
      %mul3A_497 = arith.muli %select_n3A_495, %mul3A_496 : i32
      %multiple_of3A_498 = tpu.assume_multiple %mul3A_497, 128 : i32
      %dma_start3A_499 = tpu.memref_slice %arg4[%add3A_479, %multiple_of3A_498] : memref<320000x256xf32, #tpu.memory_space<hbm>> -> memref<40x128xf32, #tpu.memory_space<hbm>>
      %dma_start3A_500 = tpu.memref_slice %arg4[%add3A_479, %multiple_of3A_498] : memref<320000x256xf32, #tpu.memory_space<hbm>> -> memref<40x128xf32, #tpu.memory_space<hbm>>
      tpu.enqueue_dma source(%arg9 : memref<40x128xf32, #tpu.memory_space<vmem>>) target(%dma_start3A_500 : memref<40x128xf32, #tpu.memory_space<hbm>>) target_semaphore(%arg19 : memref<!tpu.dma_semaphore, #tpu.memory_space<semaphore_mem>>)
      %gt3A_501 = arith.constant 0 : i32
      %gt3A_502 = arith.cmpi sgt, %add3A_402, %gt3A_501 : i32
      %convert_element_type3A_503 = arith.extui %gt3A_502 : i1 to i32
      %cond3A_504 = arith.constant 0 : i32
      %cond3A_505 = arith.cmpi ne, %convert_element_type3A_503, %cond3A_504 : i32
      scf.if %cond3A_505 {
        %sub3A_743 = arith.constant 1 : i32
        %sub3A_744 = arith.subi %add3A_402, %sub3A_743 : i32
        %jit3A_745 = arith.constant 2 : i32
        %div3A_746 = arith.divsi %sub3A_744, %jit3A_745 : i32
        %sign3A_747 = arith.constant 0 : i32
        %sign3A_748 = arith.cmpi sgt, %sub3A_744, %sign3A_747 : i32
        %sign3A_749 = arith.extui %sign3A_748 : i1 to i32
        %sign3A_750 = arith.constant 0 : i32
        %sign3A_751 = arith.cmpi slt, %sub3A_744, %sign3A_750 : i32
        %sign3A_752 = arith.extui %sign3A_751 : i1 to i32
        %sign3A_753 = arith.subi %sign3A_749, %sign3A_752 : i32
        %sign3A_754 = arith.constant 0 : i32
        %sign3A_755 = arith.cmpi sgt, %jit3A_745, %sign3A_754 : i32
        %sign3A_756 = arith.extui %sign3A_755 : i1 to i32
        %sign3A_757 = arith.constant 0 : i32
        %sign3A_758 = arith.cmpi slt, %jit3A_745, %sign3A_757 : i32
        %sign3A_759 = arith.extui %sign3A_758 : i1 to i32
        %sign3A_760 = arith.subi %sign3A_756, %sign3A_759 : i32
        %ne3A_761 = arith.cmpi ne, %sign3A_753, %sign3A_760 : i32
        %rem3A_762 = arith.remsi %sub3A_744, %jit3A_745 : i32
        %ne3A_763 = arith.constant 0 : i32
        %ne3A_764 = arith.cmpi ne, %rem3A_762, %ne3A_763 : i32
        %and3A_765 = arith.andi %ne3A_761, %ne3A_764 : i1
        %sub3A_766 = arith.constant 1 : i32
        %sub3A_767 = arith.subi %div3A_746, %sub3A_766 : i32
        %select_n3A_768 = arith.select %and3A_765, %sub3A_767, %div3A_746 : i32
        %mul3A_769 = arith.constant 40 : i32
        %mul3A_770 = arith.muli %select_n3A_768, %mul3A_769 : i32
        %add3A_771 = arith.addi %mul3A_2, %mul3A_770 : i32
        %jit3A_772 = arith.constant 2 : i32
        %eq3A_773 = arith.constant 0 : i32
        %eq3A_774 = arith.cmpi eq, %jit3A_772, %eq3A_773 : i32
        %jit3A_775 = arith.constant 1 : i32
        %select_n3A_776 = arith.select %eq3A_774, %jit3A_775, %jit3A_772 : i32
        %rem3A_777 = arith.remsi %sub3A_744, %select_n3A_776 : i32
        %ne3A_778 = arith.constant 0 : i32
        %ne3A_779 = arith.cmpi ne, %rem3A_777, %ne3A_778 : i32
        %lt3A_780 = arith.constant 0 : i32
        %lt3A_781 = arith.cmpi slt, %rem3A_777, %lt3A_780 : i32
        %lt3A_782 = arith.constant 0 : i32
        %lt3A_783 = arith.cmpi slt, %select_n3A_776, %lt3A_782 : i32
        %ne3A_784 = arith.xori %lt3A_781, %lt3A_783 : i1
        %and3A_785 = arith.andi %ne3A_784, %ne3A_779 : i1
        %add3A_786 = arith.addi %rem3A_777, %select_n3A_776 : i32
        %select_n3A_787 = arith.select %and3A_785, %add3A_786, %rem3A_777 : i32
        %mul3A_788 = arith.constant 128 : i32
        %mul3A_789 = arith.muli %select_n3A_787, %mul3A_788 : i32
        %multiple_of3A_790 = tpu.assume_multiple %mul3A_789, 128 : i32
        %dma_wait3A_791 = tpu.memref_slice %arg4[%add3A_771, %multiple_of3A_790] : memref<320000x256xf32, #tpu.memory_space<hbm>> -> memref<40x128xf32, #tpu.memory_space<hbm>>
        %dma_wait3A_792 = tpu.memref_slice %arg4[%add3A_771, %multiple_of3A_790] : memref<320000x256xf32, #tpu.memory_space<hbm>> -> memref<40x128xf32, #tpu.memory_space<hbm>>
        tpu.wait_dma2 semaphore(%arg18 : memref<!tpu.dma_semaphore, #tpu.memory_space<semaphore_mem>>) src(%arg8 : memref<40x128xf32, #tpu.memory_space<vmem>>) dst(%dma_wait3A_792 : memref<40x128xf32, #tpu.memory_space<hbm>>)
      } else {
      }
      %add3A_506 = arith.constant 5 : i32
      %add3A_507 = arith.addi %add3A_402, %add3A_506 : i32
      %sub3A_508 = arith.constant 2 : i32
      %sub3A_509 = arith.subi %add3A_507, %sub3A_508 : i32
      %lt3A_510 = arith.constant 500 : i32
      %lt3A_511 = arith.cmpi slt, %sub3A_509, %lt3A_510 : i32
      %convert_element_type3A_512 = arith.extui %lt3A_511 : i1 to i32
      %cond3A_513 = arith.constant 0 : i32
      %cond3A_514 = arith.cmpi ne, %convert_element_type3A_512, %cond3A_513 : i32
      scf.if %cond3A_514 {
        %add3A_743 = arith.constant 5 : i32
        %add3A_744 = arith.addi %add3A_402, %add3A_743 : i32
        %sub3A_745 = arith.constant 2 : i32
        %sub3A_746 = arith.subi %add3A_744, %sub3A_745 : i32
        %jit3A_747 = arith.constant 2 : i32
        %eq3A_748 = arith.constant 0 : i32
        %eq3A_749 = arith.cmpi eq, %jit3A_747, %eq3A_748 : i32
        %jit3A_750 = arith.constant 1 : i32
        %select_n3A_751 = arith.select %eq3A_749, %jit3A_750, %jit3A_747 : i32
        %rem3A_752 = arith.remsi %sub3A_746, %select_n3A_751 : i32
        %ne3A_753 = arith.constant 0 : i32
        %ne3A_754 = arith.cmpi ne, %rem3A_752, %ne3A_753 : i32
        %lt3A_755 = arith.constant 0 : i32
        %lt3A_756 = arith.cmpi slt, %rem3A_752, %lt3A_755 : i32
        %lt3A_757 = arith.constant 0 : i32
        %lt3A_758 = arith.cmpi slt, %select_n3A_751, %lt3A_757 : i32
        %ne3A_759 = arith.xori %lt3A_756, %lt3A_758 : i1
        %and3A_760 = arith.andi %ne3A_759, %ne3A_754 : i1
        %add3A_761 = arith.addi %rem3A_752, %select_n3A_751 : i32
        %select_n3A_762 = arith.select %and3A_760, %add3A_761, %rem3A_752 : i32
        %mul3A_763 = arith.constant 10000 : i32
        %mul3A_764 = arith.muli %select_n3A_762, %mul3A_763 : i32
        %jit3A_765 = arith.constant 2 : i32
        %div3A_766 = arith.divsi %sub3A_746, %jit3A_765 : i32
        %sign3A_767 = arith.constant 0 : i32
        %sign3A_768 = arith.cmpi sgt, %sub3A_746, %sign3A_767 : i32
        %sign3A_769 = arith.extui %sign3A_768 : i1 to i32
        %sign3A_770 = arith.constant 0 : i32
        %sign3A_771 = arith.cmpi slt, %sub3A_746, %sign3A_770 : i32
        %sign3A_772 = arith.extui %sign3A_771 : i1 to i32
        %sign3A_773 = arith.subi %sign3A_769, %sign3A_772 : i32
        %sign3A_774 = arith.constant 0 : i32
        %sign3A_775 = arith.cmpi sgt, %jit3A_765, %sign3A_774 : i32
        %sign3A_776 = arith.extui %sign3A_775 : i1 to i32
        %sign3A_777 = arith.constant 0 : i32
        %sign3A_778 = arith.cmpi slt, %jit3A_765, %sign3A_777 : i32
        %sign3A_779 = arith.extui %sign3A_778 : i1 to i32
        %sign3A_780 = arith.subi %sign3A_776, %sign3A_779 : i32
        %ne3A_781 = arith.cmpi ne, %sign3A_773, %sign3A_780 : i32
        %rem3A_782 = arith.remsi %sub3A_746, %jit3A_765 : i32
        %ne3A_783 = arith.constant 0 : i32
        %ne3A_784 = arith.cmpi ne, %rem3A_782, %ne3A_783 : i32
        %and3A_785 = arith.andi %ne3A_781, %ne3A_784 : i1
        %sub3A_786 = arith.constant 1 : i32
        %sub3A_787 = arith.subi %div3A_766, %sub3A_786 : i32
        %select_n3A_788 = arith.select %and3A_785, %sub3A_787, %div3A_766 : i32
        %mul3A_789 = arith.constant 40 : i32
        %mul3A_790 = arith.muli %select_n3A_788, %mul3A_789 : i32
        %add3A_791 = arith.addi %mul3A_764, %mul3A_790 : i32
        %multiple_of3A_792 = tpu.assume_multiple %add3A_791, 8 : i32
        %dma_start3A_793 = tpu.memref_slice %arg6[%multiple_of3A_792] : memref<20000xi32, #tpu.memory_space<vmem>> -> memref<40xi32, #tpu.memory_space<vmem>>
        %dma_start3A_794 = arith.constant 0 : i32
        %dma_start3A_795 = arith.constant 0 : i32
        %dma_start3A_796 = tpu.memref_slice %arg5[%dma_start3A_794, %dma_start3A_795] : memref<10000x128xf32, #tpu.memory_space<vmem_shared>> -> memref<10000x128xf32, #tpu.memory_space<vmem_shared>>
        tpu.enqueue_indirect_dma source(%dma_start3A_796 : memref<10000x128xf32, #tpu.memory_space<vmem_shared>>) target(%arg7 : memref<40x128xf32, #tpu.memory_space<vmem>>) offsets(%dma_start3A_793 : memref<40xi32, #tpu.memory_space<vmem>>) semaphore(%arg12 : memref<!tpu.dma_semaphore, #tpu.memory_space<semaphore_mem>>)
      } else {
      }
      %add3A_515 = arith.constant 3 : i32
      %add3A_516 = arith.addi %add3A_185, %add3A_515 : i32
      %jit3A_517 = arith.constant 2 : i32
      %eq3A_518 = arith.constant 0 : i32
      %eq3A_519 = arith.cmpi eq, %jit3A_517, %eq3A_518 : i32
      %jit3A_520 = arith.constant 1 : i32
      %select_n3A_521 = arith.select %eq3A_519, %jit3A_520, %jit3A_517 : i32
      %rem3A_522 = arith.remsi %add3A_516, %select_n3A_521 : i32
      %ne3A_523 = arith.constant 0 : i32
      %ne3A_524 = arith.cmpi ne, %rem3A_522, %ne3A_523 : i32
      %lt3A_525 = arith.constant 0 : i32
      %lt3A_526 = arith.cmpi slt, %rem3A_522, %lt3A_525 : i32
      %lt3A_527 = arith.constant 0 : i32
      %lt3A_528 = arith.cmpi slt, %select_n3A_521, %lt3A_527 : i32
      %ne3A_529 = arith.xori %lt3A_526, %lt3A_528 : i1
      %and3A_530 = arith.andi %ne3A_529, %ne3A_524 : i1
      %add3A_531 = arith.addi %rem3A_522, %select_n3A_521 : i32
      %select_n3A_532 = arith.select %and3A_530, %add3A_531, %rem3A_522 : i32
      %mul3A_533 = arith.constant 10000 : i32
      %mul3A_534 = arith.muli %select_n3A_532, %mul3A_533 : i32
      %jit3A_535 = arith.constant 2 : i32
      %div3A_536 = arith.divsi %add3A_516, %jit3A_535 : i32
      %sign3A_537 = arith.constant 0 : i32
      %sign3A_538 = arith.cmpi sgt, %add3A_516, %sign3A_537 : i32
      %sign3A_539 = arith.extui %sign3A_538 : i1 to i32
      %sign3A_540 = arith.constant 0 : i32
      %sign3A_541 = arith.cmpi slt, %add3A_516, %sign3A_540 : i32
      %sign3A_542 = arith.extui %sign3A_541 : i1 to i32
      %sign3A_543 = arith.subi %sign3A_539, %sign3A_542 : i32
      %sign3A_544 = arith.constant 0 : i32
      %sign3A_545 = arith.cmpi sgt, %jit3A_535, %sign3A_544 : i32
      %sign3A_546 = arith.extui %sign3A_545 : i1 to i32
      %sign3A_547 = arith.constant 0 : i32
      %sign3A_548 = arith.cmpi slt, %jit3A_535, %sign3A_547 : i32
      %sign3A_549 = arith.extui %sign3A_548 : i1 to i32
      %sign3A_550 = arith.subi %sign3A_546, %sign3A_549 : i32
      %ne3A_551 = arith.cmpi ne, %sign3A_543, %sign3A_550 : i32
      %rem3A_552 = arith.remsi %add3A_516, %jit3A_535 : i32
      %ne3A_553 = arith.constant 0 : i32
      %ne3A_554 = arith.cmpi ne, %rem3A_552, %ne3A_553 : i32
      %and3A_555 = arith.andi %ne3A_551, %ne3A_554 : i1
      %sub3A_556 = arith.constant 1 : i32
      %sub3A_557 = arith.subi %div3A_536, %sub3A_556 : i32
      %select_n3A_558 = arith.select %and3A_555, %sub3A_557, %div3A_536 : i32
      %mul3A_559 = arith.constant 40 : i32
      %mul3A_560 = arith.muli %select_n3A_558, %mul3A_559 : i32
      %add3A_561 = arith.addi %mul3A_534, %mul3A_560 : i32
      %multiple_of3A_562 = tpu.assume_multiple %add3A_561, 8 : i32
      %dma_wait3A_563 = tpu.memref_slice %arg6[%multiple_of3A_562] : memref<20000xi32, #tpu.memory_space<vmem>> -> memref<40xi32, #tpu.memory_space<vmem>>
      %dma_wait3A_564 = arith.constant 0 : i32
      %dma_wait3A_565 = arith.constant 0 : i32
      %dma_wait3A_566 = tpu.memref_slice %arg5[%dma_wait3A_564, %dma_wait3A_565] : memref<10000x128xf32, #tpu.memory_space<vmem_shared>> -> memref<10000x128xf32, #tpu.memory_space<vmem_shared>>
      tpu.wait_indirect_dma semaphore(%arg15 : memref<!tpu.dma_semaphore, #tpu.memory_space<semaphore_mem>>) src(%dma_wait3A_566 : memref<10000x128xf32, #tpu.memory_space<vmem_shared>>) dst(%arg10 : memref<40x128xf32, #tpu.memory_space<vmem>>)
      %jit3A_567 = arith.constant 2 : i32
      %div3A_568 = arith.divsi %add3A_516, %jit3A_567 : i32
      %sign3A_569 = arith.constant 0 : i32
      %sign3A_570 = arith.cmpi sgt, %add3A_516, %sign3A_569 : i32
      %sign3A_571 = arith.extui %sign3A_570 : i1 to i32
      %sign3A_572 = arith.constant 0 : i32
      %sign3A_573 = arith.cmpi slt, %add3A_516, %sign3A_572 : i32
      %sign3A_574 = arith.extui %sign3A_573 : i1 to i32
      %sign3A_575 = arith.subi %sign3A_571, %sign3A_574 : i32
      %sign3A_576 = arith.constant 0 : i32
      %sign3A_577 = arith.cmpi sgt, %jit3A_567, %sign3A_576 : i32
      %sign3A_578 = arith.extui %sign3A_577 : i1 to i32
      %sign3A_579 = arith.constant 0 : i32
      %sign3A_580 = arith.cmpi slt, %jit3A_567, %sign3A_579 : i32
      %sign3A_581 = arith.extui %sign3A_580 : i1 to i32
      %sign3A_582 = arith.subi %sign3A_578, %sign3A_581 : i32
      %ne3A_583 = arith.cmpi ne, %sign3A_575, %sign3A_582 : i32
      %rem3A_584 = arith.remsi %add3A_516, %jit3A_567 : i32
      %ne3A_585 = arith.constant 0 : i32
      %ne3A_586 = arith.cmpi ne, %rem3A_584, %ne3A_585 : i32
      %and3A_587 = arith.andi %ne3A_583, %ne3A_586 : i1
      %sub3A_588 = arith.constant 1 : i32
      %sub3A_589 = arith.subi %div3A_568, %sub3A_588 : i32
      %select_n3A_590 = arith.select %and3A_587, %sub3A_589, %div3A_568 : i32
      %mul3A_591 = arith.constant 40 : i32
      %mul3A_592 = arith.muli %select_n3A_590, %mul3A_591 : i32
      %add3A_593 = arith.addi %mul3A_2, %mul3A_592 : i32
      %jit3A_594 = arith.constant 2 : i32
      %eq3A_595 = arith.constant 0 : i32
      %eq3A_596 = arith.cmpi eq, %jit3A_594, %eq3A_595 : i32
      %jit3A_597 = arith.constant 1 : i32
      %select_n3A_598 = arith.select %eq3A_596, %jit3A_597, %jit3A_594 : i32
      %rem3A_599 = arith.remsi %add3A_516, %select_n3A_598 : i32
      %ne3A_600 = arith.constant 0 : i32
      %ne3A_601 = arith.cmpi ne, %rem3A_599, %ne3A_600 : i32
      %lt3A_602 = arith.constant 0 : i32
      %lt3A_603 = arith.cmpi slt, %rem3A_599, %lt3A_602 : i32
      %lt3A_604 = arith.constant 0 : i32
      %lt3A_605 = arith.cmpi slt, %select_n3A_598, %lt3A_604 : i32
      %ne3A_606 = arith.xori %lt3A_603, %lt3A_605 : i1
      %and3A_607 = arith.andi %ne3A_606, %ne3A_601 : i1
      %add3A_608 = arith.addi %rem3A_599, %select_n3A_598 : i32
      %select_n3A_609 = arith.select %and3A_607, %add3A_608, %rem3A_599 : i32
      %mul3A_610 = arith.constant 128 : i32
      %mul3A_611 = arith.muli %select_n3A_609, %mul3A_610 : i32
      %multiple_of3A_612 = tpu.assume_multiple %mul3A_611, 128 : i32
      %dma_start3A_613 = tpu.memref_slice %arg4[%add3A_593, %multiple_of3A_612] : memref<320000x256xf32, #tpu.memory_space<hbm>> -> memref<40x128xf32, #tpu.memory_space<hbm>>
      %dma_start3A_614 = tpu.memref_slice %arg4[%add3A_593, %multiple_of3A_612] : memref<320000x256xf32, #tpu.memory_space<hbm>> -> memref<40x128xf32, #tpu.memory_space<hbm>>
      tpu.enqueue_dma source(%arg10 : memref<40x128xf32, #tpu.memory_space<vmem>>) target(%dma_start3A_614 : memref<40x128xf32, #tpu.memory_space<hbm>>) target_semaphore(%arg20 : memref<!tpu.dma_semaphore, #tpu.memory_space<semaphore_mem>>)
      %gt3A_615 = arith.constant 0 : i32
      %gt3A_616 = arith.cmpi sgt, %add3A_516, %gt3A_615 : i32
      %convert_element_type3A_617 = arith.extui %gt3A_616 : i1 to i32
      %cond3A_618 = arith.constant 0 : i32
      %cond3A_619 = arith.cmpi ne, %convert_element_type3A_617, %cond3A_618 : i32
      scf.if %cond3A_619 {
        %sub3A_743 = arith.constant 1 : i32
        %sub3A_744 = arith.subi %add3A_516, %sub3A_743 : i32
        %jit3A_745 = arith.constant 2 : i32
        %div3A_746 = arith.divsi %sub3A_744, %jit3A_745 : i32
        %sign3A_747 = arith.constant 0 : i32
        %sign3A_748 = arith.cmpi sgt, %sub3A_744, %sign3A_747 : i32
        %sign3A_749 = arith.extui %sign3A_748 : i1 to i32
        %sign3A_750 = arith.constant 0 : i32
        %sign3A_751 = arith.cmpi slt, %sub3A_744, %sign3A_750 : i32
        %sign3A_752 = arith.extui %sign3A_751 : i1 to i32
        %sign3A_753 = arith.subi %sign3A_749, %sign3A_752 : i32
        %sign3A_754 = arith.constant 0 : i32
        %sign3A_755 = arith.cmpi sgt, %jit3A_745, %sign3A_754 : i32
        %sign3A_756 = arith.extui %sign3A_755 : i1 to i32
        %sign3A_757 = arith.constant 0 : i32
        %sign3A_758 = arith.cmpi slt, %jit3A_745, %sign3A_757 : i32
        %sign3A_759 = arith.extui %sign3A_758 : i1 to i32
        %sign3A_760 = arith.subi %sign3A_756, %sign3A_759 : i32
        %ne3A_761 = arith.cmpi ne, %sign3A_753, %sign3A_760 : i32
        %rem3A_762 = arith.remsi %sub3A_744, %jit3A_745 : i32
        %ne3A_763 = arith.constant 0 : i32
        %ne3A_764 = arith.cmpi ne, %rem3A_762, %ne3A_763 : i32
        %and3A_765 = arith.andi %ne3A_761, %ne3A_764 : i1
        %sub3A_766 = arith.constant 1 : i32
        %sub3A_767 = arith.subi %div3A_746, %sub3A_766 : i32
        %select_n3A_768 = arith.select %and3A_765, %sub3A_767, %div3A_746 : i32
        %mul3A_769 = arith.constant 40 : i32
        %mul3A_770 = arith.muli %select_n3A_768, %mul3A_769 : i32
        %add3A_771 = arith.addi %mul3A_2, %mul3A_770 : i32
        %jit3A_772 = arith.constant 2 : i32
        %eq3A_773 = arith.constant 0 : i32
        %eq3A_774 = arith.cmpi eq, %jit3A_772, %eq3A_773 : i32
        %jit3A_775 = arith.constant 1 : i32
        %select_n3A_776 = arith.select %eq3A_774, %jit3A_775, %jit3A_772 : i32
        %rem3A_777 = arith.remsi %sub3A_744, %select_n3A_776 : i32
        %ne3A_778 = arith.constant 0 : i32
        %ne3A_779 = arith.cmpi ne, %rem3A_777, %ne3A_778 : i32
        %lt3A_780 = arith.constant 0 : i32
        %lt3A_781 = arith.cmpi slt, %rem3A_777, %lt3A_780 : i32
        %lt3A_782 = arith.constant 0 : i32
        %lt3A_783 = arith.cmpi slt, %select_n3A_776, %lt3A_782 : i32
        %ne3A_784 = arith.xori %lt3A_781, %lt3A_783 : i1
        %and3A_785 = arith.andi %ne3A_784, %ne3A_779 : i1
        %add3A_786 = arith.addi %rem3A_777, %select_n3A_776 : i32
        %select_n3A_787 = arith.select %and3A_785, %add3A_786, %rem3A_777 : i32
        %mul3A_788 = arith.constant 128 : i32
        %mul3A_789 = arith.muli %select_n3A_787, %mul3A_788 : i32
        %multiple_of3A_790 = tpu.assume_multiple %mul3A_789, 128 : i32
        %dma_wait3A_791 = tpu.memref_slice %arg4[%add3A_771, %multiple_of3A_790] : memref<320000x256xf32, #tpu.memory_space<hbm>> -> memref<40x128xf32, #tpu.memory_space<hbm>>
        %dma_wait3A_792 = tpu.memref_slice %arg4[%add3A_771, %multiple_of3A_790] : memref<320000x256xf32, #tpu.memory_space<hbm>> -> memref<40x128xf32, #tpu.memory_space<hbm>>
        tpu.wait_dma2 semaphore(%arg19 : memref<!tpu.dma_semaphore, #tpu.memory_space<semaphore_mem>>) src(%arg9 : memref<40x128xf32, #tpu.memory_space<vmem>>) dst(%dma_wait3A_792 : memref<40x128xf32, #tpu.memory_space<hbm>>)
      } else {
      }
      %add3A_620 = arith.constant 5 : i32
      %add3A_621 = arith.addi %add3A_516, %add3A_620 : i32
      %sub3A_622 = arith.constant 2 : i32
      %sub3A_623 = arith.subi %add3A_621, %sub3A_622 : i32
      %lt3A_624 = arith.constant 500 : i32
      %lt3A_625 = arith.cmpi slt, %sub3A_623, %lt3A_624 : i32
      %convert_element_type3A_626 = arith.extui %lt3A_625 : i1 to i32
      %cond3A_627 = arith.constant 0 : i32
      %cond3A_628 = arith.cmpi ne, %convert_element_type3A_626, %cond3A_627 : i32
      scf.if %cond3A_628 {
        %add3A_743 = arith.constant 5 : i32
        %add3A_744 = arith.addi %add3A_516, %add3A_743 : i32
        %sub3A_745 = arith.constant 2 : i32
        %sub3A_746 = arith.subi %add3A_744, %sub3A_745 : i32
        %jit3A_747 = arith.constant 2 : i32
        %eq3A_748 = arith.constant 0 : i32
        %eq3A_749 = arith.cmpi eq, %jit3A_747, %eq3A_748 : i32
        %jit3A_750 = arith.constant 1 : i32
        %select_n3A_751 = arith.select %eq3A_749, %jit3A_750, %jit3A_747 : i32
        %rem3A_752 = arith.remsi %sub3A_746, %select_n3A_751 : i32
        %ne3A_753 = arith.constant 0 : i32
        %ne3A_754 = arith.cmpi ne, %rem3A_752, %ne3A_753 : i32
        %lt3A_755 = arith.constant 0 : i32
        %lt3A_756 = arith.cmpi slt, %rem3A_752, %lt3A_755 : i32
        %lt3A_757 = arith.constant 0 : i32
        %lt3A_758 = arith.cmpi slt, %select_n3A_751, %lt3A_757 : i32
        %ne3A_759 = arith.xori %lt3A_756, %lt3A_758 : i1
        %and3A_760 = arith.andi %ne3A_759, %ne3A_754 : i1
        %add3A_761 = arith.addi %rem3A_752, %select_n3A_751 : i32
        %select_n3A_762 = arith.select %and3A_760, %add3A_761, %rem3A_752 : i32
        %mul3A_763 = arith.constant 10000 : i32
        %mul3A_764 = arith.muli %select_n3A_762, %mul3A_763 : i32
        %jit3A_765 = arith.constant 2 : i32
        %div3A_766 = arith.divsi %sub3A_746, %jit3A_765 : i32
        %sign3A_767 = arith.constant 0 : i32
        %sign3A_768 = arith.cmpi sgt, %sub3A_746, %sign3A_767 : i32
        %sign3A_769 = arith.extui %sign3A_768 : i1 to i32
        %sign3A_770 = arith.constant 0 : i32
        %sign3A_771 = arith.cmpi slt, %sub3A_746, %sign3A_770 : i32
        %sign3A_772 = arith.extui %sign3A_771 : i1 to i32
        %sign3A_773 = arith.subi %sign3A_769, %sign3A_772 : i32
        %sign3A_774 = arith.constant 0 : i32
        %sign3A_775 = arith.cmpi sgt, %jit3A_765, %sign3A_774 : i32
        %sign3A_776 = arith.extui %sign3A_775 : i1 to i32
        %sign3A_777 = arith.constant 0 : i32
        %sign3A_778 = arith.cmpi slt, %jit3A_765, %sign3A_777 : i32
        %sign3A_779 = arith.extui %sign3A_778 : i1 to i32
        %sign3A_780 = arith.subi %sign3A_776, %sign3A_779 : i32
        %ne3A_781 = arith.cmpi ne, %sign3A_773, %sign3A_780 : i32
        %rem3A_782 = arith.remsi %sub3A_746, %jit3A_765 : i32
        %ne3A_783 = arith.constant 0 : i32
        %ne3A_784 = arith.cmpi ne, %rem3A_782, %ne3A_783 : i32
        %and3A_785 = arith.andi %ne3A_781, %ne3A_784 : i1
        %sub3A_786 = arith.constant 1 : i32
        %sub3A_787 = arith.subi %div3A_766, %sub3A_786 : i32
        %select_n3A_788 = arith.select %and3A_785, %sub3A_787, %div3A_766 : i32
        %mul3A_789 = arith.constant 40 : i32
        %mul3A_790 = arith.muli %select_n3A_788, %mul3A_789 : i32
        %add3A_791 = arith.addi %mul3A_764, %mul3A_790 : i32
        %multiple_of3A_792 = tpu.assume_multiple %add3A_791, 8 : i32
        %dma_start3A_793 = tpu.memref_slice %arg6[%multiple_of3A_792] : memref<20000xi32, #tpu.memory_space<vmem>> -> memref<40xi32, #tpu.memory_space<vmem>>
        %dma_start3A_794 = arith.constant 0 : i32
        %dma_start3A_795 = arith.constant 0 : i32
        %dma_start3A_796 = tpu.memref_slice %arg5[%dma_start3A_794, %dma_start3A_795] : memref<10000x128xf32, #tpu.memory_space<vmem_shared>> -> memref<10000x128xf32, #tpu.memory_space<vmem_shared>>
        tpu.enqueue_indirect_dma source(%dma_start3A_796 : memref<10000x128xf32, #tpu.memory_space<vmem_shared>>) target(%arg8 : memref<40x128xf32, #tpu.memory_space<vmem>>) offsets(%dma_start3A_793 : memref<40xi32, #tpu.memory_space<vmem>>) semaphore(%arg13 : memref<!tpu.dma_semaphore, #tpu.memory_space<semaphore_mem>>)
      } else {
      }
      %add3A_629 = arith.constant 4 : i32
      %add3A_630 = arith.addi %add3A_185, %add3A_629 : i32
      %jit3A_631 = arith.constant 2 : i32
      %eq3A_632 = arith.constant 0 : i32
      %eq3A_633 = arith.cmpi eq, %jit3A_631, %eq3A_632 : i32
      %jit3A_634 = arith.constant 1 : i32
      %select_n3A_635 = arith.select %eq3A_633, %jit3A_634, %jit3A_631 : i32
      %rem3A_636 = arith.remsi %add3A_630, %select_n3A_635 : i32
      %ne3A_637 = arith.constant 0 : i32
      %ne3A_638 = arith.cmpi ne, %rem3A_636, %ne3A_637 : i32
      %lt3A_639 = arith.constant 0 : i32
      %lt3A_640 = arith.cmpi slt, %rem3A_636, %lt3A_639 : i32
      %lt3A_641 = arith.constant 0 : i32
      %lt3A_642 = arith.cmpi slt, %select_n3A_635, %lt3A_641 : i32
      %ne3A_643 = arith.xori %lt3A_640, %lt3A_642 : i1
      %and3A_644 = arith.andi %ne3A_643, %ne3A_638 : i1
      %add3A_645 = arith.addi %rem3A_636, %select_n3A_635 : i32
      %select_n3A_646 = arith.select %and3A_644, %add3A_645, %rem3A_636 : i32
      %mul3A_647 = arith.constant 10000 : i32
      %mul3A_648 = arith.muli %select_n3A_646, %mul3A_647 : i32
      %jit3A_649 = arith.constant 2 : i32
      %div3A_650 = arith.divsi %add3A_630, %jit3A_649 : i32
      %sign3A_651 = arith.constant 0 : i32
      %sign3A_652 = arith.cmpi sgt, %add3A_630, %sign3A_651 : i32
      %sign3A_653 = arith.extui %sign3A_652 : i1 to i32
      %sign3A_654 = arith.constant 0 : i32
      %sign3A_655 = arith.cmpi slt, %add3A_630, %sign3A_654 : i32
      %sign3A_656 = arith.extui %sign3A_655 : i1 to i32
      %sign3A_657 = arith.subi %sign3A_653, %sign3A_656 : i32
      %sign3A_658 = arith.constant 0 : i32
      %sign3A_659 = arith.cmpi sgt, %jit3A_649, %sign3A_658 : i32
      %sign3A_660 = arith.extui %sign3A_659 : i1 to i32
      %sign3A_661 = arith.constant 0 : i32
      %sign3A_662 = arith.cmpi slt, %jit3A_649, %sign3A_661 : i32
      %sign3A_663 = arith.extui %sign3A_662 : i1 to i32
      %sign3A_664 = arith.subi %sign3A_660, %sign3A_663 : i32
      %ne3A_665 = arith.cmpi ne, %sign3A_657, %sign3A_664 : i32
      %rem3A_666 = arith.remsi %add3A_630, %jit3A_649 : i32
      %ne3A_667 = arith.constant 0 : i32
      %ne3A_668 = arith.cmpi ne, %rem3A_666, %ne3A_667 : i32
      %and3A_669 = arith.andi %ne3A_665, %ne3A_668 : i1
      %sub3A_670 = arith.constant 1 : i32
      %sub3A_671 = arith.subi %div3A_650, %sub3A_670 : i32
      %select_n3A_672 = arith.select %and3A_669, %sub3A_671, %div3A_650 : i32
      %mul3A_673 = arith.constant 40 : i32
      %mul3A_674 = arith.muli %select_n3A_672, %mul3A_673 : i32
      %add3A_675 = arith.addi %mul3A_648, %mul3A_674 : i32
      %multiple_of3A_676 = tpu.assume_multiple %add3A_675, 8 : i32
      %dma_wait3A_677 = tpu.memref_slice %arg6[%multiple_of3A_676] : memref<20000xi32, #tpu.memory_space<vmem>> -> memref<40xi32, #tpu.memory_space<vmem>>
      %dma_wait3A_678 = arith.constant 0 : i32
      %dma_wait3A_679 = arith.constant 0 : i32
      %dma_wait3A_680 = tpu.memref_slice %arg5[%dma_wait3A_678, %dma_wait3A_679] : memref<10000x128xf32, #tpu.memory_space<vmem_shared>> -> memref<10000x128xf32, #tpu.memory_space<vmem_shared>>
      tpu.wait_indirect_dma semaphore(%arg16 : memref<!tpu.dma_semaphore, #tpu.memory_space<semaphore_mem>>) src(%dma_wait3A_680 : memref<10000x128xf32, #tpu.memory_space<vmem_shared>>) dst(%arg11 : memref<40x128xf32, #tpu.memory_space<vmem>>)
      %jit3A_681 = arith.constant 2 : i32
      %div3A_682 = arith.divsi %add3A_630, %jit3A_681 : i32
      %sign3A_683 = arith.constant 0 : i32
      %sign3A_684 = arith.cmpi sgt, %add3A_630, %sign3A_683 : i32
      %sign3A_685 = arith.extui %sign3A_684 : i1 to i32
      %sign3A_686 = arith.constant 0 : i32
      %sign3A_687 = arith.cmpi slt, %add3A_630, %sign3A_686 : i32
      %sign3A_688 = arith.extui %sign3A_687 : i1 to i32
      %sign3A_689 = arith.subi %sign3A_685, %sign3A_688 : i32
      %sign3A_690 = arith.constant 0 : i32
      %sign3A_691 = arith.cmpi sgt, %jit3A_681, %sign3A_690 : i32
      %sign3A_692 = arith.extui %sign3A_691 : i1 to i32
      %sign3A_693 = arith.constant 0 : i32
      %sign3A_694 = arith.cmpi slt, %jit3A_681, %sign3A_693 : i32
      %sign3A_695 = arith.extui %sign3A_694 : i1 to i32
      %sign3A_696 = arith.subi %sign3A_692, %sign3A_695 : i32
      %ne3A_697 = arith.cmpi ne, %sign3A_689, %sign3A_696 : i32
      %rem3A_698 = arith.remsi %add3A_630, %jit3A_681 : i32
      %ne3A_699 = arith.constant 0 : i32
      %ne3A_700 = arith.cmpi ne, %rem3A_698, %ne3A_699 : i32
      %and3A_701 = arith.andi %ne3A_697, %ne3A_700 : i1
      %sub3A_702 = arith.constant 1 : i32
      %sub3A_703 = arith.subi %div3A_682, %sub3A_702 : i32
      %select_n3A_704 = arith.select %and3A_701, %sub3A_703, %div3A_682 : i32
      %mul3A_705 = arith.constant 40 : i32
      %mul3A_706 = arith.muli %select_n3A_704, %mul3A_705 : i32
      %add3A_707 = arith.addi %mul3A_2, %mul3A_706 : i32
      %jit3A_708 = arith.constant 2 : i32
      %eq3A_709 = arith.constant 0 : i32
      %eq3A_710 = arith.cmpi eq, %jit3A_708, %eq3A_709 : i32
      %jit3A_711 = arith.constant 1 : i32
      %select_n3A_712 = arith.select %eq3A_710, %jit3A_711, %jit3A_708 : i32
      %rem3A_713 = arith.remsi %add3A_630, %select_n3A_712 : i32
      %ne3A_714 = arith.constant 0 : i32
      %ne3A_715 = arith.cmpi ne, %rem3A_713, %ne3A_714 : i32
      %lt3A_716 = arith.constant 0 : i32
      %lt3A_717 = arith.cmpi slt, %rem3A_713, %lt3A_716 : i32
      %lt3A_718 = arith.constant 0 : i32
      %lt3A_719 = arith.cmpi slt, %select_n3A_712, %lt3A_718 : i32
      %ne3A_720 = arith.xori %lt3A_717, %lt3A_719 : i1
      %and3A_721 = arith.andi %ne3A_720, %ne3A_715 : i1
      %add3A_722 = arith.addi %rem3A_713, %select_n3A_712 : i32
      %select_n3A_723 = arith.select %and3A_721, %add3A_722, %rem3A_713 : i32
      %mul3A_724 = arith.constant 128 : i32
      %mul3A_725 = arith.muli %select_n3A_723, %mul3A_724 : i32
      %multiple_of3A_726 = tpu.assume_multiple %mul3A_725, 128 : i32
      %dma_start3A_727 = tpu.memref_slice %arg4[%add3A_707, %multiple_of3A_726] : memref<320000x256xf32, #tpu.memory_space<hbm>> -> memref<40x128xf32, #tpu.memory_space<hbm>>
      %dma_start3A_728 = tpu.memref_slice %arg4[%add3A_707, %multiple_of3A_726] : memref<320000x256xf32, #tpu.memory_space<hbm>> -> memref<40x128xf32, #tpu.memory_space<hbm>>
      tpu.enqueue_dma source(%arg11 : memref<40x128xf32, #tpu.memory_space<vmem>>) target(%dma_start3A_728 : memref<40x128xf32, #tpu.memory_space<hbm>>) target_semaphore(%arg21 : memref<!tpu.dma_semaphore, #tpu.memory_space<semaphore_mem>>)
      %gt3A_729 = arith.constant 0 : i32
      %gt3A_730 = arith.cmpi sgt, %add3A_630, %gt3A_729 : i32
      %convert_element_type3A_731 = arith.extui %gt3A_730 : i1 to i32
      %cond3A_732 = arith.constant 0 : i32
      %cond3A_733 = arith.cmpi ne, %convert_element_type3A_731, %cond3A_732 : i32
      scf.if %cond3A_733 {
        %sub3A_743 = arith.constant 1 : i32
        %sub3A_744 = arith.subi %add3A_630, %sub3A_743 : i32
        %jit3A_745 = arith.constant 2 : i32
        %div3A_746 = arith.divsi %sub3A_744, %jit3A_745 : i32
        %sign3A_747 = arith.constant 0 : i32
        %sign3A_748 = arith.cmpi sgt, %sub3A_744, %sign3A_747 : i32
        %sign3A_749 = arith.extui %sign3A_748 : i1 to i32
        %sign3A_750 = arith.constant 0 : i32
        %sign3A_751 = arith.cmpi slt, %sub3A_744, %sign3A_750 : i32
        %sign3A_752 = arith.extui %sign3A_751 : i1 to i32
        %sign3A_753 = arith.subi %sign3A_749, %sign3A_752 : i32
        %sign3A_754 = arith.constant 0 : i32
        %sign3A_755 = arith.cmpi sgt, %jit3A_745, %sign3A_754 : i32
        %sign3A_756 = arith.extui %sign3A_755 : i1 to i32
        %sign3A_757 = arith.constant 0 : i32
        %sign3A_758 = arith.cmpi slt, %jit3A_745, %sign3A_757 : i32
        %sign3A_759 = arith.extui %sign3A_758 : i1 to i32
        %sign3A_760 = arith.subi %sign3A_756, %sign3A_759 : i32
        %ne3A_761 = arith.cmpi ne, %sign3A_753, %sign3A_760 : i32
        %rem3A_762 = arith.remsi %sub3A_744, %jit3A_745 : i32
        %ne3A_763 = arith.constant 0 : i32
        %ne3A_764 = arith.cmpi ne, %rem3A_762, %ne3A_763 : i32
        %and3A_765 = arith.andi %ne3A_761, %ne3A_764 : i1
        %sub3A_766 = arith.constant 1 : i32
        %sub3A_767 = arith.subi %div3A_746, %sub3A_766 : i32
        %select_n3A_768 = arith.select %and3A_765, %sub3A_767, %div3A_746 : i32
        %mul3A_769 = arith.constant 40 : i32
        %mul3A_770 = arith.muli %select_n3A_768, %mul3A_769 : i32
        %add3A_771 = arith.addi %mul3A_2, %mul3A_770 : i32
        %jit3A_772 = arith.constant 2 : i32
        %eq3A_773 = arith.constant 0 : i32
        %eq3A_774 = arith.cmpi eq, %jit3A_772, %eq3A_773 : i32
        %jit3A_775 = arith.constant 1 : i32
        %select_n3A_776 = arith.select %eq3A_774, %jit3A_775, %jit3A_772 : i32
        %rem3A_777 = arith.remsi %sub3A_744, %select_n3A_776 : i32
        %ne3A_778 = arith.constant 0 : i32
        %ne3A_779 = arith.cmpi ne, %rem3A_777, %ne3A_778 : i32
        %lt3A_780 = arith.constant 0 : i32
        %lt3A_781 = arith.cmpi slt, %rem3A_777, %lt3A_780 : i32
        %lt3A_782 = arith.constant 0 : i32
        %lt3A_783 = arith.cmpi slt, %select_n3A_776, %lt3A_782 : i32
        %ne3A_784 = arith.xori %lt3A_781, %lt3A_783 : i1
        %and3A_785 = arith.andi %ne3A_784, %ne3A_779 : i1
        %add3A_786 = arith.addi %rem3A_777, %select_n3A_776 : i32
        %select_n3A_787 = arith.select %and3A_785, %add3A_786, %rem3A_777 : i32
        %mul3A_788 = arith.constant 128 : i32
        %mul3A_789 = arith.muli %select_n3A_787, %mul3A_788 : i32
        %multiple_of3A_790 = tpu.assume_multiple %mul3A_789, 128 : i32
        %dma_wait3A_791 = tpu.memref_slice %arg4[%add3A_771, %multiple_of3A_790] : memref<320000x256xf32, #tpu.memory_space<hbm>> -> memref<40x128xf32, #tpu.memory_space<hbm>>
        %dma_wait3A_792 = tpu.memref_slice %arg4[%add3A_771, %multiple_of3A_790] : memref<320000x256xf32, #tpu.memory_space<hbm>> -> memref<40x128xf32, #tpu.memory_space<hbm>>
        tpu.wait_dma2 semaphore(%arg20 : memref<!tpu.dma_semaphore, #tpu.memory_space<semaphore_mem>>) src(%arg10 : memref<40x128xf32, #tpu.memory_space<vmem>>) dst(%dma_wait3A_792 : memref<40x128xf32, #tpu.memory_space<hbm>>)
      } else {
      }
      %add3A_734 = arith.constant 5 : i32
      %add3A_735 = arith.addi %add3A_630, %add3A_734 : i32
      %sub3A_736 = arith.constant 2 : i32
      %sub3A_737 = arith.subi %add3A_735, %sub3A_736 : i32
      %lt3A_738 = arith.constant 500 : i32
      %lt3A_739 = arith.cmpi slt, %sub3A_737, %lt3A_738 : i32
      %convert_element_type3A_740 = arith.extui %lt3A_739 : i1 to i32
      %cond3A_741 = arith.constant 0 : i32
      %cond3A_742 = arith.cmpi ne, %convert_element_type3A_740, %cond3A_741 : i32
      scf.if %cond3A_742 {
        %add3A_743 = arith.constant 5 : i32
        %add3A_744 = arith.addi %add3A_630, %add3A_743 : i32
        %sub3A_745 = arith.constant 2 : i32
        %sub3A_746 = arith.subi %add3A_744, %sub3A_745 : i32
        %jit3A_747 = arith.constant 2 : i32
        %eq3A_748 = arith.constant 0 : i32
        %eq3A_749 = arith.cmpi eq, %jit3A_747, %eq3A_748 : i32
        %jit3A_750 = arith.constant 1 : i32
        %select_n3A_751 = arith.select %eq3A_749, %jit3A_750, %jit3A_747 : i32
        %rem3A_752 = arith.remsi %sub3A_746, %select_n3A_751 : i32
        %ne3A_753 = arith.constant 0 : i32
        %ne3A_754 = arith.cmpi ne, %rem3A_752, %ne3A_753 : i32
        %lt3A_755 = arith.constant 0 : i32
        %lt3A_756 = arith.cmpi slt, %rem3A_752, %lt3A_755 : i32
        %lt3A_757 = arith.constant 0 : i32
        %lt3A_758 = arith.cmpi slt, %select_n3A_751, %lt3A_757 : i32
        %ne3A_759 = arith.xori %lt3A_756, %lt3A_758 : i1
        %and3A_760 = arith.andi %ne3A_759, %ne3A_754 : i1
        %add3A_761 = arith.addi %rem3A_752, %select_n3A_751 : i32
        %select_n3A_762 = arith.select %and3A_760, %add3A_761, %rem3A_752 : i32
        %mul3A_763 = arith.constant 10000 : i32
        %mul3A_764 = arith.muli %select_n3A_762, %mul3A_763 : i32
        %jit3A_765 = arith.constant 2 : i32
        %div3A_766 = arith.divsi %sub3A_746, %jit3A_765 : i32
        %sign3A_767 = arith.constant 0 : i32
        %sign3A_768 = arith.cmpi sgt, %sub3A_746, %sign3A_767 : i32
        %sign3A_769 = arith.extui %sign3A_768 : i1 to i32
        %sign3A_770 = arith.constant 0 : i32
        %sign3A_771 = arith.cmpi slt, %sub3A_746, %sign3A_770 : i32
        %sign3A_772 = arith.extui %sign3A_771 : i1 to i32
        %sign3A_773 = arith.subi %sign3A_769, %sign3A_772 : i32
        %sign3A_774 = arith.constant 0 : i32
        %sign3A_775 = arith.cmpi sgt, %jit3A_765, %sign3A_774 : i32
        %sign3A_776 = arith.extui %sign3A_775 : i1 to i32
        %sign3A_777 = arith.constant 0 : i32
        %sign3A_778 = arith.cmpi slt, %jit3A_765, %sign3A_777 : i32
        %sign3A_779 = arith.extui %sign3A_778 : i1 to i32
        %sign3A_780 = arith.subi %sign3A_776, %sign3A_779 : i32
        %ne3A_781 = arith.cmpi ne, %sign3A_773, %sign3A_780 : i32
        %rem3A_782 = arith.remsi %sub3A_746, %jit3A_765 : i32
        %ne3A_783 = arith.constant 0 : i32
        %ne3A_784 = arith.cmpi ne, %rem3A_782, %ne3A_783 : i32
        %and3A_785 = arith.andi %ne3A_781, %ne3A_784 : i1
        %sub3A_786 = arith.constant 1 : i32
        %sub3A_787 = arith.subi %div3A_766, %sub3A_786 : i32
        %select_n3A_788 = arith.select %and3A_785, %sub3A_787, %div3A_766 : i32
        %mul3A_789 = arith.constant 40 : i32
        %mul3A_790 = arith.muli %select_n3A_788, %mul3A_789 : i32
        %add3A_791 = arith.addi %mul3A_764, %mul3A_790 : i32
        %multiple_of3A_792 = tpu.assume_multiple %add3A_791, 8 : i32
        %dma_start3A_793 = tpu.memref_slice %arg6[%multiple_of3A_792] : memref<20000xi32, #tpu.memory_space<vmem>> -> memref<40xi32, #tpu.memory_space<vmem>>
        %dma_start3A_794 = arith.constant 0 : i32
        %dma_start3A_795 = arith.constant 0 : i32
        %dma_start3A_796 = tpu.memref_slice %arg5[%dma_start3A_794, %dma_start3A_795] : memref<10000x128xf32, #tpu.memory_space<vmem_shared>> -> memref<10000x128xf32, #tpu.memory_space<vmem_shared>>
        tpu.enqueue_indirect_dma source(%dma_start3A_796 : memref<10000x128xf32, #tpu.memory_space<vmem_shared>>) target(%arg9 : memref<40x128xf32, #tpu.memory_space<vmem>>) offsets(%dma_start3A_793 : memref<40xi32, #tpu.memory_space<vmem>>) semaphore(%arg14 : memref<!tpu.dma_semaphore, #tpu.memory_space<semaphore_mem>>)
      } else {
      }
    }
    %scan3A_174 = arith.constant 99 : i32
    %add3A_175 = arith.constant 9960 : i32
    %add3A_176 = arith.addi %mul3A_2, %add3A_175 : i32
    %multiple_of3A_177 = arith.constant 128 : i32
    %multiple_of3A_178 = tpu.assume_multiple %multiple_of3A_177, 128 : i32
    %dma_wait3A_179 = tpu.memref_slice %arg4[%add3A_176, %multiple_of3A_178] : memref<320000x256xf32, #tpu.memory_space<hbm>> -> memref<40x128xf32, #tpu.memory_space<hbm>>
    %dma_wait3A_180 = tpu.memref_slice %arg4[%add3A_176, %multiple_of3A_178] : memref<320000x256xf32, #tpu.memory_space<hbm>> -> memref<40x128xf32, #tpu.memory_space<hbm>>
    tpu.wait_dma2 semaphore(%arg21 : memref<!tpu.dma_semaphore, #tpu.memory_space<semaphore_mem>>) src(%arg11 : memref<40x128xf32, #tpu.memory_space<vmem>>) dst(%dma_wait3A_180 : memref<40x128xf32, #tpu.memory_space<hbm>>)
    return
  }
}

</mosaic_0001>

<sc_bundles>
// kernel: kernel.3.cloned.1.call-start
scs
__scs_entry_jumppad:
0x0: {  	(pc) =	sbr.rel $0x88, $3  }
0x1: {  	(tag) =	ssettag $0x0;
	lr =	simm.s32 $0x1  }
0x2: {  	[smem:$0x3F9F] =	sst lr;
	_ =	strace $0xD0000000  }
0x3: {  	_ = 	snop  }
0x4: {  	_ = 	snop  }
0x5: {  	_ = 	snop  }
0x6: {  	_ = 	snop  }
0x7: {  	_ = 	snop  }
__scs_overlays_trampoline_lowered:
0x8: {  	[smem:$0x3FAE] =	sst s0  }
0x9: {  	[smem:$0x3FAF] =	sst s1  }
0xa: {  	[smem:$0x3FB0] =	sst s2  }
0xb: {  	[smem:$0x3FB1] =	sst s3  }
0xc: {  	[smem:$0x3FB2] =	sst s4  }
0xd: {  	[smem:$0x3FB3] =	sst s5  }
0xe: {  	[smem:$0x3FB4] =	sst s6  }
0xf: {  	[smem:$0x3FB5] =	sst s7  }
0x10: {  	[smem:$0x3FB6] =	sst s8  }
0x11: {  	[smem:$0x3FB7] =	sst s9;
	s0 =	simm.s32 @!p0 $0x0  }
0x12: {  	s1 =	sld [smem:$0x3F9D];
	s0 =	simm.s32 @p0 $0x1  }
0x13: {  	[smem:$0x3FB8] =	sst s0;
	s0 =	simm.s32 @!p1 $0x0  }
0x14: {  	s2 =	sld [smem:$0x3F9C];
	s0 =	simm.s32 @p1 $0x1  }
0x15: {  	[smem:$0x3FB9] =	sst s0;
	s0 =	simm.s32 @!p2 $0x0  }
0x16: {  	s3 =	sld [smem:$0x3FDB];
	s0 =	simm.s32 @p2 $0x1  }
0x17: {  	s4 =	simm.s32 $0x1BF5;
	[smem:$0x3FBB] =	sst s0  }
0x18: {  	s0 =	sld [smem:$0x3F9E];
	_ =	swait.ge [sflag:s4], $0x0  }
0x19: {  	s7 =	sld [smem:$0x3F9F]  }
0x1a: {  	s8 =	sadd.s32 $0xFFFFE003, lr  }
0x1b: {  	s9 =	sadd.s32 $0xFFFFFEF7, lr;
	s5 =	simm.s32 $0xFFFFFFFF;
	p2 =	slt.u32 s8, $0xFFFFF086  }
0x1c: {  	p1 =	slt.u32 s9, $0xF7A;
	s5 =	simm.s32 @!p2 $0x0  }
0x1d: {  	s5 =	simm.s32 @p1 $0x1;
	p0 =	seq.s32 s7, s2  }
0x1e: {  	s7 =	smul.u32 @!p0 $0xF7A, s2;
	p2 =	seq.s32 @!p0 s5, $0x0  }
0x1f: {  	s9 =	smul.u32 $0xF7A, s1;
	s8 =	simm.s32 @!p0 $0x1BF5;
	p2 =	por !p2, p0  }
0x20: {  	[sflag:s8] =	ssyncset.s32 @!p0 $0xFFFFF086;
	s6 =	sadd.s32 @!p0 s3, s7;
	s7 =	simm.s32 @!p0 $0x108  }
0x21: {  	s3 =	sadd.s32 s3, s9;
	s6 =	sadd.s32 @!p0 $0x88, s6;
	s7 =	simm.s32 @p2 $0x1082  }
0x22: {  	[simem:s7], [sflag:s8] =	dma.local @!p0 [hbm:s6], $0xF7A  }
0x23: {  	s9 =	sor.u32 $0xD0000000, s2;
	s6 =	simm.s32 $0x108;
	_ =	swait.ge @!p0 [sflag:s8], $0x0  }
0x24: {  	s3 =	sadd.s32 $0x88, s3;
	s6 =	simm.s32 @!p1 $0x1082;
	[sflag:s4] =	ssyncset.s32 $0xFFFFF086  }
0x25: {  	[simem:s6], [sflag:s4] =	dma.local [hbm:s3], $0xF7A  }
0x26: {  	[smem:$0x3F9F] =	sst s1;
	(tag) =	ssettag s2;
	_ =	strace s9  }
0x27: {  	s1 =	sld [smem:$0x3FAF]  }
0x28: {  	s2 =	sld [smem:$0x3FB0]  }
0x29: {  	s4 =	sld [smem:$0x3FB2]  }
0x2a: {  	p0 =	seq.s32 s5, $0x0;
	s5 =	sld [smem:$0x3FB3]  }
0x2b: {  	s6 =	sld [smem:$0x3FB4]  }
0x2c: {  	s7 =	sld [smem:$0x3FB5]  }
0x2d: {  	s3 =	simm.s32 $0x108;
	s8 =	sld [smem:$0x3FB6]  }
0x2e: {  	s3 =	simm.s32 @!p0 $0x1082;
	s9 =	sld [smem:$0x3FB7]  }
0x2f: {  	lr =	sadd.s32 s0, s3;
	s0 =	sld [smem:$0x3FAE]  }
0x30: {  	s3 =	sld [smem:$0x3FB1]  }
0x31: {  	[smem:$0x3FBA] =	sst s10  }
0x32: {  	s10 =	sld [smem:$0x3FB8];
	_ =	sdelay $0x3  }
0x33: {  	p0 =	seq.s32 s10, $0x1;
	s10 =	sld [smem:$0x3FBA];
	_ =	sdelay $0x3  }
0x34: {  	[smem:$0x3FBA] =	sst s10  }
0x35: {  	s10 =	sld [smem:$0x3FB9];
	_ =	sdelay $0x3  }
0x36: {  	p1 =	seq.s32 s10, $0x1;
	s10 =	sld [smem:$0x3FBA];
	_ =	sdelay $0x3  }
0x37: {  	[smem:$0x3FBA] =	sst s10  }
0x38: {  	s10 =	sld [smem:$0x3FBB]  }
0x39: {  	_ = 	snop;
	(pc) =	sbr.ind lr, $3  }
0x3a: {  	_ = 	snop  }
0x3b: {  	_ = 	snop  }
0x3c: {  	p2 =	seq.s32 s10, $0x1;
	s10 =	sld [smem:$0x3FBA]  }
0x3d: {  	_ =	shalt  }
0x3e: {  	_ =	shalt  }
0x3f: {  	_ =	shalt  }
0x40: {  	_ =	shalt  }
0x41: {  	_ =	shalt  }
0x42: {  	_ =	shalt  }
0x43: {  	_ =	shalt  }
0x44: {  	_ =	shalt  }
0x45: {  	_ =	shalt  }
0x46: {  	_ =	shalt  }
0x47: {  	_ =	shalt  }
0x48: {  	_ =	shalt  }
0x49: {  	_ =	shalt  }
0x4a: {  	_ =	shalt  }
0x4b: {  	_ =	shalt  }
0x4c: {  	_ =	shalt  }
0x4d: {  	_ =	shalt  }
0x4e: {  	_ =	shalt  }
0x4f: {  	_ =	shalt  }
0x50: {  	_ =	shalt  }
0x51: {  	_ =	shalt  }
0x52: {  	_ =	shalt  }
0x53: {  	_ =	shalt  }
0x54: {  	_ =	shalt  }
0x55: {  	_ =	shalt  }
0x56: {  	_ =	shalt  }
0x57: {  	_ =	shalt  }
0x58: {  	_ =	shalt  }
0x59: {  	_ =	shalt  }
0x5a: {  	_ =	shalt  }
0x5b: {  	_ =	shalt  }
0x5c: {  	_ =	shalt  }
0x5d: {  	_ =	shalt  }
0x5e: {  	_ =	shalt  }
0x5f: {  	_ =	shalt  }
0x60: {  	_ =	shalt  }
0x61: {  	_ =	shalt  }
0x62: {  	_ =	shalt  }
0x63: {  	_ =	shalt  }
0x64: {  	_ =	shalt  }
0x65: {  	_ =	shalt  }
0x66: {  	_ =	shalt  }
0x67: {  	_ =	shalt  }
0x68: {  	_ =	shalt  }
0x69: {  	_ =	shalt  }
0x6a: {  	_ =	shalt  }
0x6b: {  	_ =	shalt  }
0x6c: {  	_ =	shalt  }
0x6d: {  	_ =	shalt  }
0x6e: {  	_ =	shalt  }
0x6f: {  	_ =	shalt  }
0x70: {  	_ =	shalt  }
0x71: {  	_ =	shalt  }
0x72: {  	_ =	shalt  }
0x73: {  	_ =	shalt  }
0x74: {  	_ =	shalt  }
0x75: {  	_ =	shalt  }
0x76: {  	_ =	shalt  }
0x77: {  	_ =	shalt  }
0x78: {  	_ =	shalt  }
0x79: {  	_ =	shalt  }
0x7a: {  	_ =	shalt  }
0x7b: {  	_ =	shalt  }
0x7c: {  	_ =	shalt  }
0x7d: {  	_ =	shalt  }
0x7e: {  	_ =	shalt  }
0x7f: {  	_ =	shalt  }
0x80: {  	_ =	shalt  }
0x81: {  	_ =	shalt  }
0x82: {  	_ =	shalt  }
0x83: {  	_ =	shalt  }
0x84: {  	_ =	shalt  }
0x85: {  	_ =	shalt  }
0x86: {  	_ =	shalt  }
0x87: {  	_ =	shalt  }
.Lfunc_end0:
.L_simem_size_0:
called_computation_lowered:
.L_overlay_start_0:
0x88: {  	s2 =	sld [smem:$0x3FD9]  }
0x89: {  	s3 =	sld [smem:$0x3FFE];
	_ =	sdelay $0x1  }
0x8a: {  	s1 =	srdreg.scid  }
0x8b: {  	s0 =	sand.u32 $0x1, s1  }
0x8c: {  	s17 =	sshll.u32 s0, $0xA;
	s2 =	sadd.s32 s3, s2  }
0x8d: {  	s2 =	sadd.s32 s2, s17  }
0x8e: {  	[smem:$0x3FC6] =	sst s2  }
0x8f: {  	_ = 	snop  }
0x90: {  	s2 =	sld [smem:$0x3FC9]  }
0x91: {  	s18 =	sld [smem:$0x3FD0];
	(tm) =	ssettm $0x1  }
0x92: {  	s4 =	sld [smem:$0x3FFB];
	_ =	sdelay $0x3  }
0x93: {  	_ =	strace s4  }
0x94: {  	s4 =	sld [smem:$0x3FFC];
	_ =	sdelay $0x3  }
0x95: {  	_ =	strace s4  }
0x96: {  	s4 =	sld [smem:$0x3FFD];
	_ =	sdelay $0x3  }
0x97: {  	_ =	strace s4  }
0x98: {  	_ =	strace $0x8FFFFFFF  }
0x99: {  	s19 =	sld [smem:$0x3FDB];
	_ =	sdelay $0x1  }
0x9a: {  	s5 =	simm.s32 $_scs_section_size  }
0x9b: {  	s6 =	simm.s32 $_size__tile_overlayer_lowered;
	s7 =	simm.s32 $_tile_overlayer_lowered  }
0x9c: {  	s22 =	simm.s32 $0x1BFF;
	s21 =	sshll.u32 s7, $0x1;
	s4 =	sadd.s32 s5, s19  }
0x9d: {  	s8 =	simm.s32 $0x0;
	s20 =	sshll.u32 s6, $0x1;
	s6 =	sadd.s32 s21, s4  }
0x9e: {  	[timem:s8], [sflag:s22] =	dma.local [hbm:s6], s20  }
0x9f: {  	_ =	swait.ge [sflag:s22], s20  }
0xa0: {  	s5 =	ssub.s32 $0x0, s20;
	[sflag:s22] =	ssyncset.done $0x0  }
0xa1: {  	[sflag:s22] =	ssyncadd.s32 s5;
	_ =	sdelay $0x1  }
0xa2: {  	s23 =	simm.s32 $0x1B8B  }
0xa3: {  	_ =	swait.ge [sflag:s23], $0x1  }
0xa4: {  	[sflag:s23] =	ssyncset.done $0x0  }
0xa5: {  	s25 =	simm.s32 $0x1B8E;
	s24 =	sld [smem:$0x3FFE];
	[sflag:s23] =	ssyncadd.s32 $0xFFFFFFFF  }
0xa6: {  	s26 =	simm.s32 $execute0_lowered;
	[smem:$0x3FD2] =	sst s25  }
0xa7: {  	s6 =	sshll.u32 s26, $0x1;
	_ =	strace $0x80000046;
	[dreg:$0x1] =	wrdreg $0xFFFFFFFF  }
0xa8: {  	s28 =	simm.s32 $_size_execute0_lowered;
	s4 =	sadd.s32 s4, s6;
	[dreg:$0x0] =	wrdreg $0x0  }
0xa9: {  	s6 =	sshll.u32 s28, $0x1;
	[dreg:$0x2] =	wrdreg s4  }
0xaa: {  	[dreg:$0x3] =	wrdreg s6  }
0xab: {  	[dreg:$0x4] =	wrdreg $0xC0  }
0xac: {  	_ =	task [dreg:s8], $0x5FFFF  }
0xad: {  	[dreg:$0x1] =	wrdreg $0xFFFFFFFF  }
0xae: {  	[dreg:$0x0] =	wrdreg $0x60  }
0xaf: {  	[dreg:$0x2] =	wrdreg s2  }
0xb0: {  	[dreg:$0x3] =	wrdreg s24  }
0xb1: {  	[dreg:$0x4] =	wrdreg s18  }
0xb2: {  	[dreg:$0x5] =	wrdreg $0x0  }
0xb3: {  	[dreg:$0x6] =	wrdreg $0x9  }
0xb4: {  	_ =	task.clear_ibuf [dreg:s8], $0x7FFFF;
	_ =	strace $0x90000046  }
0xb5: {  	s29 =	simm.s32 $0x9;
	_ =	strace $0x80000048  }
0xb6: {  	_ =	swait.ge [sflag:s29], $0x1  }
0xb7: {  	[sflag:s29] =	ssyncadd.s32 $0xFFFFFFFF  }
0xb8: {  	_ =	strace $0x90000048  }
0xb9: {  	_ =	sfence  }
0xba: {  	s30 =	sld [smem:$0x0];
	_ =	sdelay $0x2  }
0xbb: {  	s31 =	sshll.u32 s1, $0xD;
	s1 =	sshrl.u32 s1, $0x2  }
0xbc: {  	s3 =	sand.u32 $0x4000, s31;
	s1 =	sadd.s32 s1, s30  }
0xbd: {  	s0 =	sor.u32 s3, s0;
	s1 =	sshll.u32 s1, $0x11  }
0xbe: {  	s0 =	sor.u32 s1, s0  }
0xbf: {  	s0 =	sadd.s32 $0x8F2B, s0  }
0xc0: {  	[sflag:s0] =	ssyncadd.remote.s32 $0x1  }
0xc1: {  	_ =	sfence.sel $0xFFFF  }
0xc2: {  	[dreg:$0x0] =	wrdreg $0xFFFFFFFF;
	(pc) =	sbr.abs _section_cstart, $3  }
0xc3: {  	[dreg:$0x1] =	wrdreg $0xFFFFFFFF  }
0xc4: {  	_ =	task.clear_ibuf [dreg:s8], $0x2FFFF;
	_ =	strace $0x9FFFFFFF  }
0xc5: {  	(tm) =	ssettm $0x7FFFFFFF  }
tec
execute0_lowered:
.L_overlay_start_1:
0x0: {  	(tag) =	ssettag $0x1  }
0x1: {  	s0 =	rddreg [dreg:$0x0]  }
0x2: {  	s2 =	rddreg [dreg:$0x1]  }
0x3: {  	s1 =	srdreg.scid;
	s3 =	rddreg [dreg:$0x2]  }
0x4: {  	s9 =	stileid.u32;
	s4 =	rddreg [dreg:$0x3];
	s7 =	simm.s32 $0x0  }
0x5: {  	s28 =	simm.s32 $0x1;
	s29 =	simm.s32 $0x400;
	s30 =	simm.s32 $0x800  }
0x6: {  	s31 =	simm.s32 $0x1D700;
	s10 =	simm.s32 $0x8;
	s12 =	simm.s32 $0x5  }
0x7: {  	s13 =	simm.s32 $0x9;
	s14 =	simm.s32 $0xA;
	s1 =	sand.u32 $0x1, s1  }
0x8: {  	[smem:$0x7FF] =	sst s7;
	s15 =	smul.u32 $0x278, s9;
	s5 =	sshll.u32 s1, $0x4  }
0x9: {  	_ =	strace $0x80000047;
	s1 =	ssub.s32 $0x2, s1;
	s5 =	sor.u32 s9, s5  }
0xa: {  	s16 =	sshrl.u32 s1, $0x1;
	s7 =	smin.u32 s15, $0x2498;
	s9 =	sshll.u32 s9, $0x6  }
0xb: {  	s6 =	smul.u32 $0x2710, s5;
	s1 =	ssub.s32 s1, s16;
	s17 =	sshll.u32 s7, $0x7  }
0xc: {  	s5 =	smul.u32 $0x271000, s5;
	s7 =	sshll.u32 s7, $0x4;
	s18 =	sor.u32 $0x1C0B, s9  }
0xd: {  	s0 =	sadd.s32 s0, s7;
	[dreg:$0x6] =	wrdreg s18;
	s25 =	smax.u32 s1, $0x1  }
0xe: {  	s8 =	sshrl.u32 s6, $0x3;
	[dreg:$0x5] =	wrdreg s0;
	s5 =	sshrl.u32 s5, $0x3  }
0xf: {  	[dreg:$0xe] =	wrdreg s25;
	s2 =	sadd.s32 s8, s2;
	s21 =	sadd.s32 s3, s5  }
0x10: {  	s9 =	simm.s32 $0x4;
	s19 =	sadd.s32 $0x400, s2;
	[dreg:$0x9] =	wrdreg s21  }
0x11: {  	s1 =	simm.s32 $0x2;
	s20 =	sadd.s32 $0xA040, s2;
	[dreg:$0x7] =	wrdreg s19  }
0x12: {  	s7 =	simm.s32 $0x7;
	s22 =	sadd.s32 $0x80, s21;
	[dreg:$0x8] =	wrdreg s20  }
0x13: {  	s25 =	simm.s32 $0x6;
	s23 =	sadd.s32 $0x500, s21;
	[dreg:$0xa] =	wrdreg s22  }
.Ltmp0:
0x14: {  	s24 =	sadd.s32 $0x580, s21;
	[dreg:$0xb] =	wrdreg s23;
	(pc) =	sbr.rel .LBB2_1-.Ltmp0, $4  }
0x15: {  	s8 =	sadd.s32 s17, s4;
	s0 =	sadd.s32 $0xA00, s21;
	[dreg:$0xc] =	wrdreg s24  }
0x16: {  	s5 =	simm.s32 $0x3;
	s26 =	sshrl.u32 s8, $0x3;
	[dreg:$0xd] =	wrdreg s0  }
0x17: {  	s2 =	simm.s32 $0x1C300;
	s8 =	simm.s32 $0x0;
	[dreg:$0xf] =	wrdreg s26  }
0x18: {  	s22 =	simm.s32 $0x28;
	s26 =	simm.s32 $0x1AF00;
	s24 =	simm.s32 $0x19B00  }
.LBB2_4:
0x19: {  	_ =	swait.ge [sflag:s14], $0x1400  }
0x1a: {  	s8 =	rddreg [dreg:$0x10]  }
0x1b: {  	s0 =	rddreg [dreg:$0xe];
	s8 =	sadd.s32 $0x1, s8  }
0x1c: {  	p0 =	sne.s32 s8, s0  }
.Ltmp1:
0x1d: {  	_ = 	snop;
	(pc) =	sbr.rel @!p0 .LBB2_5-.Ltmp1, $3  }
0x1e: {  	_ =	sdelay $0x1  }
0x1f: {  	[sflag:s14] =	ssyncset.done $0x0  }
0x20: {  	[sflag:s14] =	ssyncadd.s32 $0xFFFFEC00  }
.LBB2_1:
0x21: {  	[dreg:$0x10] =	wrdreg s8  }
0x22: {  	s0 =	rddreg [dreg:$0x5]  }
0x23: {  	s19 =	rddreg [dreg:$0x6]  }
0x24: {  	s11 =	rddreg [dreg:$0xf]  }
0x25: {  	[spmem:s11], [sflag:s19] =	dma.local [hbm:s0], $0x2780  }
0x26: {  	s20 =	simm.s32 $0x0;
	s21 =	simm.s32 $0x13880;
	s8 =	rddreg [dreg:$0x7]  }
0x27: {  	[tilespmem:s21], [sflag:$0xC] =	stream.linear.gather [hbm4b:s8+s20], $0x2710, $0x38;
	[tilespmem:$0x1EB00] =	vst v63  }
0x28: {  	s15 =	simm.s32 $0x15F90;
	s16 =	simm.s32 $0xC;
	s23 =	rddreg [dreg:$0x8]  }
0x29: {  	[tilespmem:s15], [sflag:$0xD] =	stream.linear.gather [hbm4b:s23+s20], $0x2710, $0x38;
	[tilespmem:$0x1EB00] =	vst v63  }
0x2a: {  	_ =	swait.ge [sflag:s16], $0x2710  }
0x2b: {  	[sflag:s16] =	ssyncset.done $0x0  }
0x2c: {  	s17 =	simm.s32 $0xD;
	[sflag:s16] =	ssyncadd.s32 $0xFFFFD8F0  }
0x2d: {  	_ =	swait.ge [sflag:s17], $0x2710  }
0x2e: {  	[sflag:s17] =	ssyncset.done $0x0  }
0x2f: {  	[sflag:s17] =	ssyncadd.s32 $0xFFFFD8F0  }
0x30: {  	s16 =	simm.s32 $0x18700;
	s0 =	rddreg [dreg:$0x0]  }
0x31: {  	[tilespmem:s16], [sflag:$0x1] =	stream.indirect.gather [hbm4b:s0+s22], $0x80, s21, s22, $0xb8;
	[tilespmem:$0x1EB00] =	vst v63  }
0x32: {  	s11 =	simm.s32 $0x19B00  }
0x33: {  	[tilespmem:s11], [sflag:$0x2] =	stream.indirect.gather [hbm4b:s0+s22], $0x80, s15, s22, $0xb8;
	[tilespmem:$0x1EB00] =	vst v63  }
0x34: {  	s18 =	simm.s32 $0x138A8  }
0x35: {  	[tilespmem:s26], [sflag:$0x3] =	stream.indirect.gather [hbm4b:s0+s22], $0x80, s18, s22, $0xb8;
	[tilespmem:$0x1EB00] =	vst v63  }
0x36: {  	_ =	swait.ge [sflag:s28], $0x1400  }
0x37: {  	[sflag:s28] =	ssyncset.done $0x0  }
0x38: {  	s19 =	rddreg [dreg:$0x9];
	[sflag:s28] =	ssyncadd.s32 $0xFFFFEC00  }
0x39: {  	[hbm4b:s19+s29] =	stream.strided.scatter [tilespmem:s16], [sflag:$0x6], $0x1400, s30, s29, $0x38;
	[tilespmem:$0x1EB00] =	vst v63  }
0x3a: {  	s20 =	simm.s32 $0x15FB8  }
0x3b: {  	[tilespmem:s2], [sflag:$0x4] =	stream.indirect.gather [hbm4b:s0+s22], $0x80, s20, s22, $0xb8;
	[tilespmem:$0x1EB00] =	vst v63  }
0x3c: {  	_ =	swait.ge [sflag:s1], $0x1400  }
0x3d: {  	[sflag:s1] =	ssyncset.done $0x0  }
0x3e: {  	s21 =	rddreg [dreg:$0xa];
	[sflag:s1] =	ssyncadd.s32 $0xFFFFEC00  }
0x3f: {  	[hbm4b:s21+s29] =	stream.strided.scatter [tilespmem:s11], [sflag:$0x7], $0x1400, s30, s29, $0x38;
	[tilespmem:$0x1EB00] =	vst v63  }
0x40: {  	_ =	swait.ge [sflag:s25], $0x1400  }
0x41: {  	[sflag:s25] =	ssyncset.done $0x0  }
0x42: {  	s23 =	simm.s32 $0x138D0;
	[sflag:s25] =	ssyncadd.s32 $0xFFFFEC00  }
0x43: {  	[tilespmem:s31], [sflag:$0x5] =	stream.indirect.gather [hbm4b:s0+s22], $0x80, s23, s22, $0xb8;
	[tilespmem:$0x1EB00] =	vst v63  }
0x44: {  	_ =	swait.ge [sflag:s5], $0x1400  }
0x45: {  	[sflag:s5] =	ssyncset.done $0x0  }
0x46: {  	s15 =	rddreg [dreg:$0xb];
	[sflag:s5] =	ssyncadd.s32 $0xFFFFEC00  }
0x47: {  	[hbm4b:s15+s29] =	stream.strided.scatter [tilespmem:s26], [sflag:$0x8], $0x1400, s30, s29, $0x38;
	[tilespmem:$0x1EB00] =	vst v63  }
0x48: {  	_ =	swait.ge [sflag:s7], $0x1400  }
0x49: {  	[sflag:s7] =	ssyncset.done $0x0  }
0x4a: {  	s17 =	simm.s32 $0xB;
	[sflag:s7] =	ssyncadd.s32 $0xFFFFEC00  }
0x4b: {  	_ =	swait.ge [sflag:s17], $0x2780  }
0x4c: {  	[sflag:s17] =	ssyncset.done $0x0  }
0x4d: {  	[sflag:s17] =	ssyncadd.s32 $0xFFFFD880  }
0x4e: {  	s18 =	simm.s32 $0x15FE0;
	[bflag:$0x0] =	sbarrier.arrive $0xFFFF  }
0x4f: {  	[tilespmem:s16], [sflag:$0x1] =	stream.indirect.gather [spmem:s4], $0x80, s18, s22, $0xb8;
	[tilespmem:$0x1EB00] =	vst v63  }
0x50: {  	_ =	swait.ge [sflag:s9], $0x1400  }
0x51: {  	[sflag:s9] =	ssyncset.done $0x0  }
0x52: {  	s19 =	rddreg [dreg:$0xc];
	[sflag:s9] =	ssyncadd.s32 $0xFFFFEC00  }
0x53: {  	[hbm4b:s19+s29] =	stream.strided.scatter [tilespmem:s2], [sflag:$0x9], $0x1400, s30, s29, $0x38;
	[tilespmem:$0x1EB00] =	vst v63  }
0x54: {  	_ =	swait.ge [sflag:s10], $0x1400  }
0x55: {  	[sflag:s10] =	ssyncset.done $0x0  }
0x56: {  	s20 =	simm.s32 $0x138F8;
	[sflag:s10] =	ssyncadd.s32 $0xFFFFEC00  }
0x57: {  	[tilespmem:s11], [sflag:$0x2] =	stream.indirect.gather [spmem:s4], $0x80, s20, s22, $0xb8;
	[tilespmem:$0x1EB00] =	vst v63  }
0x58: {  	_ =	swait.ge [sflag:s12], $0x1400  }
0x59: {  	[sflag:s12] =	ssyncset.done $0x0  }
0x5a: {  	s21 =	rddreg [dreg:$0xd];
	[sflag:s12] =	ssyncadd.s32 $0xFFFFEC00  }
0x5b: {  	[hbm4b:s21+s29] =	stream.strided.scatter [tilespmem:s31], [sflag:$0xA], $0x1400, s30, s29, $0x38;
	[tilespmem:$0x1EB00] =	vst v63  }
0x5c: {  	_ =	swait.ge [sflag:s13], $0x1400  }
0x5d: {  	s23 =	simm.s32 $0x16008;
	s15 =	simm.s32 $0x480;
	[sflag:s13] =	ssyncset.done $0x0  }
0x5e: {  	s16 =	simm.s32 $0x0;
	s19 =	simm.s32 $0x0;
	[sflag:s13] =	ssyncadd.s32 $0xFFFFEC00  }
0x5f: {  	[tilespmem:s26], [sflag:$0x3] =	stream.indirect.gather [spmem:s4], $0x80, s23, s22, $0xb8;
	[tilespmem:$0x1EB00] =	vst v63  }
.LBB2_2:
0x60: {  	s17 =	sadd.s32 $0x5, s16  }
0x61: {  	s11 =	sshrl.u32 s17, $0x1  }
0x62: {  	s11 =	smul.u32 $0x28, s11  }
0x63: {  	s20 =	sadd.s32 $0xFFFFFE00, s15  }
0x64: {  	_ =	swait.ge [sflag:s28], $0x1400;
	s20 =	sand.u32 $0x80, s20;
	s11 =	sadd.s32 s6, s11  }
0x65: {  	[sflag:s28] =	ssyncset.done $0x0;
	s20 =	sadd.s32 s3, s20;
	s11 =	sshll.u32 s11, $0x5  }
0x66: {  	s0 =	simm.s32 $0x18700;
	[sflag:s28] =	ssyncadd.s32 $0xFFFFEC00;
	s11 =	sadd.s32 s11, s20  }
0x67: {  	[hbm4b:s11+s29] =	stream.strided.scatter [tilespmem:s0], [sflag:$0x6], $0x1400, s30, s29, $0x38;
	[tilespmem:$0x1EB00] =	vst v63  }
0x68: {  	s0 =	sadd.s32 $0x8, s16  }
0x69: {  	s8 =	sand.u32 $0x1, s16;
	s18 =	sand.u32 $0x80, s19;
	s20 =	sshrl.u32 s0, $0x1  }
0x6a: {  	p0 =	seq.s32 s8, $0x1;
	s8 =	sadd.s32 $0x6, s16;
	s21 =	smul.u32 $0xA0, s20  }
0x6b: {  	s8 =	sshrl.u32 s8, $0x1;
	s11 =	simm.s32 $0x15F90;
	_ =	swait.ge [sflag:s14], $0x1400  }
0x6c: {  	s11 =	simm.s32 @!p0 $0x13880;
	[sflag:s14] =	ssyncset.done $0x0;
	s21 =	sshra.s32 s21, $0x2  }
0x6d: {  	s8 =	smul.u32 $0x28, s8;
	[sflag:s14] =	ssyncadd.s32 $0xFFFFEC00;
	s21 =	sadd.s32 s21, s11  }
0x6e: {  	[tilespmem:s2], [sflag:$0x4] =	stream.indirect.gather [spmem:s4], $0x80, s21, s22, $0xb8;
	[tilespmem:$0x1EB00] =	vst v63  }
0x6f: {  	s23 =	sadd.s32 $0x9, s16;
	s8 =	sadd.s32 s6, s8;
	_ =	swait.ge [sflag:s1], $0x1400  }
0x70: {  	s8 =	sshll.u32 s8, $0x5;
	s21 =	sadd.s32 s3, s18;
	[sflag:s1] =	ssyncset.done $0x0  }
0x71: {  	s0 =	sshrl.u32 s23, $0x1;
	s8 =	sadd.s32 s8, s21;
	[sflag:s1] =	ssyncadd.s32 $0xFFFFEC00  }
0x72: {  	[hbm4b:s8+s29] =	stream.strided.scatter [tilespmem:s24], [sflag:$0x7], $0x1400, s30, s29, $0x38;
	[tilespmem:$0x1EB00] =	vst v63  }
0x73: {  	s18 =	smul.u32 $0xA0, s0;
	s8 =	sand.u32 $0x1, s23  }
0x74: {  	p0 =	seq.s32 s8, $0x1;
	s8 =	simm.s32 $0x2710  }
0x75: {  	s18 =	sshra.s32 s18, $0x2;
	_ =	swait.ge [sflag:s25], $0x1400;
	s8 =	simm.s32 @!p0 $0x0  }
0x76: {  	[sflag:s25] =	ssyncset.done $0x0;
	s8 =	sadd.s32 s18, s8  }
0x77: {  	[sflag:s25] =	ssyncadd.s32 $0xFFFFEC00;
	s18 =	sadd.s32 $0x7, s16;
	s8 =	sadd.s32 $0x13880, s8  }
0x78: {  	[tilespmem:s31], [sflag:$0x5] =	stream.indirect.gather [spmem:s4], $0x80, s8, s22, $0xb8;
	[tilespmem:$0x1EB00] =	vst v63  }
0x79: {  	s8 =	sshrl.u32 s18, $0x1  }
0x7a: {  	s8 =	smul.u32 $0x28, s8  }
0x7b: {  	s23 =	sadd.s32 $0xFFFFFF00, s15  }
0x7c: {  	s18 =	sand.u32 $0x80, s23;
	_ =	swait.ge [sflag:s5], $0x1400;
	s8 =	sadd.s32 s6, s8  }
0x7d: {  	s18 =	sadd.s32 s3, s18;
	[sflag:s5] =	ssyncset.done $0x0;
	s8 =	sshll.u32 s8, $0x5  }
0x7e: {  	p0 =	seq.s32 s16, $0x1EA;
	[sflag:s5] =	ssyncadd.s32 $0xFFFFEC00;
	s8 =	sadd.s32 s8, s18  }
0x7f: {  	[hbm4b:s8+s29] =	stream.strided.scatter [tilespmem:s26], [sflag:$0x8], $0x1400, s30, s29, $0x38;
	[tilespmem:$0x1EB00] =	vst v63  }
0x80: {  	s8 =	sadd.s32 @!p0 $0xA, s16  }
0x81: {  	s8 =	sshrl.u32 @!p0 s8, $0x1  }
0x82: {  	s8 =	smul.u32 @!p0 $0xA0, s8  }
0x83: {  	s20 =	smul.u32 $0x28, s20;
	_ =	swait.ge [sflag:s7], $0x1400  }
0x84: {  	s23 =	simm.s32 @!p0 $0x18700;
	[sflag:s7] =	ssyncset.done $0x0;
	s8 =	sshra.s32 @!p0 s8, $0x2  }
0x85: {  	s18 =	simm.s32 @!p0 $0x28;
	[sflag:s7] =	ssyncadd.s32 $0xFFFFEC00;
	s8 =	sadd.s32 @!p0 s8, s11  }
0x86: {  	[tilespmem:s23], [sflag:$0x1] =	stream.indirect.gather @!p0 [spmem:s4], $0x80, s8, s18, $0xb8;
	[tilespmem:$0x1EB00] =	vst v63  }
0x87: {  	s20 =	sadd.s32 s6, s20;
	_ =	swait.ge [sflag:s9], $0x1400  }
0x88: {  	s8 =	sshll.u32 s20, $0x5;
	[sflag:s9] =	ssyncset.done $0x0  }
0x89: {  	s8 =	sadd.s32 s8, s21;
	[sflag:s9] =	ssyncadd.s32 $0xFFFFEC00  }
0x8a: {  	[hbm4b:s8+s29] =	stream.strided.scatter [tilespmem:s2], [sflag:$0x9], $0x1400, s30, s29, $0x38;
	[tilespmem:$0x1EB00] =	vst v63  }
0x8b: {  	s8 =	sadd.s32 @!p0 $0xB, s16  }
0x8c: {  	s20 =	sand.u32 @!p0 $0x1, s8;
	s8 =	sshrl.u32 @!p0 s8, $0x1  }
0x8d: {  	p1 =	seq.s32 @!p0 s20, $0x1;
	s8 =	smul.u32 @!p0 $0xA0, s8  }
0x8e: {  	s20 =	simm.s32 @!p0 $0x2710;
	p1 =	por !p1, p0  }
0x8f: {  	_ =	swait.ge [sflag:s10], $0x1400;
	s20 =	simm.s32 @p1 $0x0;
	s8 =	sshra.s32 @!p0 s8, $0x2  }
0x90: {  	s0 =	smul.u32 $0x28, s0;
	[sflag:s10] =	ssyncset.done $0x0;
	s8 =	sadd.s32 @!p0 s8, s20  }
0x91: {  	[sflag:s10] =	ssyncadd.s32 $0xFFFFEC00;
	s20 =	simm.s32 @!p0 $0x19B00;
	s8 =	sadd.s32 @!p0 $0x13880, s8  }
0x92: {  	[tilespmem:s20], [sflag:$0x2] =	stream.indirect.gather @!p0 [spmem:s4], $0x80, s8, s18, $0xb8;
	[tilespmem:$0x1EB00] =	vst v63  }
0x93: {  	s0 =	sadd.s32 s6, s0;
	s23 =	sand.u32 $0x80, s15;
	_ =	swait.ge [sflag:s12], $0x1400  }
0x94: {  	s0 =	sshll.u32 s0, $0x5;
	s8 =	sadd.s32 s3, s23;
	[sflag:s12] =	ssyncset.done $0x0  }
.Ltmp2:
0x95: {  	s0 =	sadd.s32 s0, s8;
	[sflag:s12] =	ssyncadd.s32 $0xFFFFEC00;
	(pc) =	sbr.rel @p0 .LBB2_4-.Ltmp2, $4  }
0x96: {  	[hbm4b:s0+s29] =	stream.strided.scatter [tilespmem:s31], [sflag:$0xA], $0x1400, s30, s29, $0x38;
	[tilespmem:$0x1EB00] =	vst v63  }
0x97: {  	_ =	swait.ge [sflag:s13], $0x1400  }
0x98: {  	[sflag:s13] =	ssyncset.done $0x0  }
0x99: {  	[sflag:s13] =	ssyncadd.s32 $0xFFFFEC00  }
0x9a: {  	s0 =	sadd.s32 $0xC, s16  }
0x9b: {  	s0 =	sshrl.u32 s0, $0x1  }
0x9c: {  	s0 =	smul.u32 $0xA0, s0  }
.Ltmp3:
0x9d: {  	_ = 	snop;
	(pc) =	sbr.rel .LBB2_2-.Ltmp3, $4  }
0x9e: {  	_ = 	snop  }
0x9f: {  	s15 =	sadd.s32 $0x280, s15;
	s0 =	sshra.s32 s0, $0x2  }
0xa0: {  	s19 =	sadd.s32 $0x80, s19;
	s16 =	smov.u32 s17;
	s0 =	sadd.s32 s0, s11  }
0xa1: {  	[tilespmem:s26], [sflag:$0x3] =	stream.indirect.gather [spmem:s4], $0x80, s0, s22, $0xb8;
	[tilespmem:$0x1EB00] =	vst v63  }
.LBB2_5:
0xa2: {  	_ =	sfence.sel $0x180000  }
0xa3: {  	[bflag:$0x0] =	sbarrier.arrive $0xFFFF  }
0xa4: {  	_ =	strace $0x90000047  }
0xa5: {  	s0 =	stileid.u32;
	[bflag:$0x2] =	sbarrier.arrive $0xFFFF  }
0xa6: {  	p0 =	sne.s32 s0, $0x0;
	s0 =	rddreg [dreg:$0x4]  }
0xa7: {  	s0 =	sadd.s32 @!p0 $0x100000, s0  }
0xa8: {  	[sflag:s0] =	ssyncadd.tile.s32 @!p0 $0x1;
	_ =	shalt  }
.Lfunc_end2:
_tile_overlayer_lowered:
.L_overlay_start_2:
0xa9: {  	(tag) =	ssettag $0x2  }
0xaa: {  	s0 =	rddreg [dreg:$0x0];
	s2 =	stileid.u32  }
0xab: {  	s1 =	rddreg [dreg:$0x1];
	p0 =	sne.s32 s2, $0x0  }
0xac: {  	s3 =	rddreg [dreg:$0x2];
	[bflag:$0x3] =	sbarrier.arrive $0xFFFF;
	s2 =	simm.s32 @!p0 $0x1C0E  }
0xad: {  	[timem:s3], [sflag:s2] =	dma.local @!p0 [hbm:s0], s1  }
0xae: {  	s0 =	simm.s32 @!p0 $0xE  }
0xaf: {  	_ =	swait.ge @!p0 [sflag:s0], s1  }
0xb0: {  	s1 =	ssub.s32 @!p0 $0x0, s1;
	[sflag:s0] =	ssyncset.done @!p0 $0x0  }
0xb1: {  	[sflag:s0] =	ssyncadd.s32 @!p0 s1  }
0xb2: {  	[bflag:$0x3] =	sbarrier.arrive $0xFFFF  }
0xb3: {  	_ =	shalt  }

</sc_bundles>
